<compile_context>
chip_gen: v7x
topology: tpu7x:2x2x1
jax: 0.10.2.dev20260603
libtpu: 0.0.44.dev20260713+nightly
codegen_flags: <defaults>
</compile_context>

<pallas_src>
import functools

import jax
import jax.numpy as jnp
from jax import lax
from jax.experimental import pallas as pl
from jax.experimental.pallas import tpu as pltpu
from jax.experimental.pallas import tpu_sc as plsc

B = 16384
D_ID = 64
D_CAT = 32
TITLE_LEN = 15
GENRE_LEN = 18
N_GENRES = 19

NC = 2
NS = 16
NW = NC * NS
BPW = B // NW
HALF = BPW // 2


def _sc_gather_wide(uid_idx, movie_idx, uid_tbl2, movie_tbl2):
    mesh = plsc.VectorSubcoreMesh(core_axis_name="c", subcore_axis_name="s")
    out_type = (
        jax.ShapeDtypeStruct((B, 128), jnp.float32),
        jax.ShapeDtypeStruct((B, 128), jnp.float32),
    )
    scratch = dict(
        uidx_v=pltpu.VMEM((BPW,), jnp.int32),
        midx_v=pltpu.VMEM((BPW,), jnp.int32),
        ua_v=pltpu.VMEM((HALF,), jnp.int32),
        ub_v=pltpu.VMEM((HALF,), jnp.int32),
        ma_v=pltpu.VMEM((HALF,), jnp.int32),
        mb_v=pltpu.VMEM((HALF,), jnp.int32),
        buf_a=pltpu.VMEM((HALF, 128), jnp.float32),
        buf_b=pltpu.VMEM((HALF, 128), jnp.float32),
        sem_a=pltpu.SemaphoreType.DMA,
        sem_b=pltpu.SemaphoreType.DMA,
    )

    @functools.partial(pl.kernel, mesh=mesh, out_type=out_type,
                       scratch_types=scratch)
    def k(uid_idx_hbm, movie_idx_hbm, uid_tbl, movie_tbl,
          uid_out, movie_out,
          uidx_v, midx_v, ua_v, ub_v, ma_v, mb_v, buf_a, buf_b,
          sem_a, sem_b):
        wid = lax.axis_index("s") * NC + lax.axis_index("c")
        base = wid * BPW

        pltpu.sync_copy(uid_idx_hbm.at[pl.ds(base, BPW)], uidx_v)
        pltpu.sync_copy(movie_idx_hbm.at[pl.ds(base, BPW)], midx_v)

        def shift_body(i, carry):
            s = pl.ds(i * 16, 16)
            h = pl.ds((i % (HALF // 16)) * 16, 16)
            u = lax.shift_right_logical(uidx_v[s], 1)
            m = lax.shift_right_logical(midx_v[s], 1)

            @pl.when(i < HALF // 16)
            def _():
                ua_v[h] = u
                ma_v[h] = m

            @pl.when(i >= HALF // 16)
            def _():
                ub_v[h] = u
                mb_v[h] = m
            return carry
        lax.fori_loop(0, BPW // 16, shift_body, 0)

        h0 = pltpu.async_copy(uid_tbl.at[ua_v], buf_a, sem_a)
        h1 = pltpu.async_copy(uid_tbl.at[ub_v], buf_b, sem_b)
        h0.wait()
        pltpu.sync_copy(buf_a, uid_out.at[pl.ds(base, HALF)])
        h2 = pltpu.async_copy(movie_tbl.at[ma_v], buf_a, sem_a)
        h1.wait()
        pltpu.sync_copy(buf_b, uid_out.at[pl.ds(base + HALF, HALF)])
        h3 = pltpu.async_copy(movie_tbl.at[mb_v], buf_b, sem_b)
        h2.wait()
        pltpu.sync_copy(buf_a, movie_out.at[pl.ds(base, HALF)])
        h3.wait()
        pltpu.sync_copy(buf_b, movie_out.at[pl.ds(base + HALF, HALF)])

    return k(uid_idx, movie_idx, uid_tbl2, movie_tbl2)


def _sc_title(title_idx, title_table):
    mesh = plsc.VectorSubcoreMesh(core_axis_name="c", subcore_axis_name="s")
    out_type = jax.ShapeDtypeStruct((B, D_CAT), jnp.float32)
    scratch = dict(
        tstage_v=pltpu.VMEM((BPW, TITLE_LEN), jnp.int32),
        tidx_v=[pltpu.VMEM((BPW,), jnp.int32) for _ in range(TITLE_LEN)],
        tacc_v=pltpu.VMEM((BPW, D_CAT), jnp.float32),
        tbuf_a=pltpu.VMEM((BPW, D_CAT), jnp.float32),
        tbuf_b=pltpu.VMEM((BPW, D_CAT), jnp.float32),
        sem_t0=pltpu.SemaphoreType.DMA,
        sem_a=pltpu.SemaphoreType.DMA,
        sem_b=pltpu.SemaphoreType.DMA,
    )

    @functools.partial(pl.kernel, mesh=mesh, out_type=out_type,
                       scratch_types=scratch,
                       compiler_params=pltpu.CompilerParams(
                           use_tc_tiling_on_sc=False,
                           needs_layout_passes=False))
    def k(title_idx_hbm, title_tbl, title_out,
          tstage_v, tidx_v, tacc_v, tbuf_a, tbuf_b, sem_t0, sem_a, sem_b):
        wid = lax.axis_index("s") * NC + lax.axis_index("c")
        base = wid * BPW

        pltpu.sync_copy(title_idx_hbm.at[pl.ds(base, BPW), :], tstage_v)
        iota16 = lax.iota(jnp.int32, 16)

        def tr_body(c, carry):
            rows = c * 16 + iota16
            for j in range(TITLE_LEN):
                cols = jnp.full((16,), j, jnp.int32)
                tidx_v[j][pl.ds(c * 16, 16)] = plsc.load_gather(
                    tstage_v, [rows, cols])
            return carry
        lax.fori_loop(0, BPW // 16, tr_body, 0)

        def accum(buf):
            def body(i, carry):
                tacc_v[i, pl.ds(0, 16)] = tacc_v[i, pl.ds(0, 16)] + buf[i, pl.ds(0, 16)]
                tacc_v[i, pl.ds(16, 16)] = tacc_v[i, pl.ds(16, 16)] + buf[i, pl.ds(16, 16)]
                return carry
            lax.fori_loop(0, BPW, body, 0)

        bufs = (tbuf_a, tbuf_b)
        sems = (sem_a, sem_b)
        h_t0 = pltpu.async_copy(title_tbl.at[tidx_v[0]], tacc_v, sem_t0)
        hs = {}
        hs[1] = pltpu.async_copy(title_tbl.at[tidx_v[1]], bufs[1], sems[1])
        hs[2] = pltpu.async_copy(title_tbl.at[tidx_v[2]], bufs[0], sems[0])
        h_t0.wait()
        for j in range(1, TITLE_LEN):
            hs[j].wait()
            accum(bufs[j % 2])
            if j + 2 < TITLE_LEN:
                hs[j + 2] = pltpu.async_copy(
                    title_tbl.at[tidx_v[j + 2]], bufs[j % 2], sems[j % 2])
        pltpu.sync_copy(tacc_v, title_out.at[pl.ds(base, BPW)])

    return k(title_idx, title_table)


BB = 2048


def _tc_body(uid_rows, mov_rows, tit_sum, uid_col, mov_col,
             gender, age, job, genres,
             gender_tbl, age_tbl, job_tbl, genre_tbl,
             W_uid, b_uid, W_gender, b_gender, W_age, b_age, W_job, b_job,
             W_user, b_user, W_mid, b_mid, W_genre, b_genre,
             W_title, b_title, W_movie, b_movie, out_ref):
    f32 = jnp.float32

    def dot(a, b):
        return jax.lax.dot(a, b, preferred_element_type=f32)

    def onehot(idx_col, n):
        iota = lax.broadcasted_iota(jnp.int32, (BB, n), 1)
        return (idx_col == iota).astype(f32)

    def half_select(rows128, idx_col):
        odd = (idx_col & 1).astype(f32)
        odd_b = dot(odd, jnp.ones((1, D_ID), f32))
        lo = rows128[:, 0:D_ID]
        hi = rows128[:, D_ID:2 * D_ID]
        return lo + odd_b * (hi - lo)

    uid_emb = half_select(uid_rows[...], uid_col[...])
    mov_emb = half_select(mov_rows[...], mov_col[...])

    u_uid = jnp.maximum(dot(uid_emb, W_uid[...]) + b_uid[...], 0.0)
    u_gen = jnp.maximum(
        dot(dot(onehot(gender[...], 2), gender_tbl[...]), W_gender[...])
        + b_gender[...], 0.0)
    u_age = jnp.maximum(
        dot(dot(onehot(age[...], 7), age_tbl[...]), W_age[...])
        + b_age[...], 0.0)
    u_job = jnp.maximum(
        dot(dot(onehot(job[...], 21), job_tbl[...]), W_job[...])
        + b_job[...], 0.0)
    Wu = W_user[...]
    user = jnp.tanh(dot(u_uid, Wu[0:64]) + dot(u_gen, Wu[64:128])
                    + dot(u_age, Wu[128:192]) + dot(u_job, Wu[192:256])
                    + b_user[...])

    m_id = jnp.maximum(dot(mov_emb, W_mid[...]) + b_mid[...], 0.0)
    GW = GENRE_LEN * N_GENRES
    g = genres[...].astype(f32)
    col = lax.broadcasted_iota(jnp.int32, (GENRE_LEN, GW), 0)
    exp_pat = (lax.broadcasted_iota(jnp.int32, (GENRE_LEN, GW), 1)
               // N_GENRES == col).astype(f32)
    gb = dot(g, exp_pat)
    kpat = (lax.broadcasted_iota(jnp.int32, (BB, GW), 1)
            % N_GENRES).astype(f32)
    hits = (gb == kpat).astype(f32)
    red = (lax.broadcasted_iota(jnp.int32, (GW, N_GENRES), 0) % N_GENRES
           == lax.broadcasted_iota(jnp.int32, (GW, N_GENRES), 1)).astype(f32)
    counts = dot(hits, red)
    genre_vec = dot(counts, genre_tbl[...])
    m_genre = jnp.maximum(dot(genre_vec, W_genre[...]) + b_genre[...], 0.0)
    m_title = jnp.maximum(
        dot(tit_sum[...] * (1.0 / TITLE_LEN), W_title[...]) + b_title[...], 0.0)
    Wm = W_movie[...]
    movie = jnp.tanh(dot(m_id, Wm[0:64]) + dot(m_genre, Wm[64:128])
                     + dot(m_title, Wm[128:192]) + b_movie[...])

    out_ref[...] = jnp.sum(user * movie, axis=1, keepdims=True)


def _tc_dense(uid_rows, mov_rows, tit_sum, uid_col, mov_col,
              gender, age, job, genres,
              gender_tbl, age_tbl, job_tbl, genre_tbl, *weights):
    grid = (B // BB,)

    def blk(shape_bb):
        return pl.BlockSpec(shape_bb, lambda i: (i, 0))

    def full(x):
        return pl.BlockSpec(x.shape, lambda i: (0,) * x.ndim)

    in_specs = [
        blk((BB, 128)), blk((BB, 128)), blk((BB, D_CAT)),
        blk((BB, 1)), blk((BB, 1)),
        blk((BB, 1)), blk((BB, 1)), blk((BB, 1)), blk((BB, GENRE_LEN)),
        full(gender_tbl), full(age_tbl), full(job_tbl), full(genre_tbl),
    ] + [full(w) for w in weights]

    return pl.pallas_call(
        _tc_body,
        grid=grid,
        in_specs=in_specs,
        out_specs=pl.BlockSpec((BB, 1), lambda i: (i, 0)),
        out_shape=jax.ShapeDtypeStruct((B, 1), jnp.float32),
    )(uid_rows, mov_rows, tit_sum, uid_col, mov_col,
      gender, age, job, genres,
      gender_tbl, age_tbl, job_tbl, genre_tbl, *weights)


def kernel(uid_tensor, gender_tensor, age_tensor, job_tensor, movies_tensor,
           genres_tensor, title_tensor, uid_table, gender_table, age_table,
           job_table, movie_table, genre_table, title_table,
           W_uid, b_uid, W_gender, b_gender, W_age, b_age, W_job, b_job,
           W_user, b_user, W_mid, b_mid, W_genre, b_genre,
           W_title, b_title, W_movie, b_movie):
    uid_idx = uid_tensor.astype(jnp.int32)
    mov_idx = movies_tensor.astype(jnp.int32)

    uid_tbl2 = uid_table.reshape(-1, 128)
    mov_tbl2 = movie_table.reshape(-1, 128)

    uid_rows, mov_rows = _sc_gather_wide(uid_idx, mov_idx, uid_tbl2, mov_tbl2)
    tit_sum = _sc_title(title_tensor.astype(jnp.int32), title_table)

    out = _tc_dense(
        uid_rows, mov_rows, tit_sum,
        uid_idx.reshape(B, 1), mov_idx.reshape(B, 1),
        gender_tensor.astype(jnp.int32).reshape(B, 1),
        age_tensor.astype(jnp.int32).reshape(B, 1),
        job_tensor.astype(jnp.int32).reshape(B, 1),
        genres_tensor.astype(jnp.int32),
        gender_table, age_table, job_table, genre_table,
        W_uid, b_uid.reshape(1, -1), W_gender, b_gender.reshape(1, -1),
        W_age, b_age.reshape(1, -1), W_job, b_job.reshape(1, -1),
        W_user, b_user.reshape(1, -1), W_mid, b_mid.reshape(1, -1),
        W_genre, b_genre.reshape(1, -1), W_title, b_title.reshape(1, -1),
        W_movie, b_movie.reshape(1, -1))
    return out

# --- scband reference (transcript-rebuilt; emitter-appended) ---
"""Pipeline reference for scband-my-model-48180943126542 (READ-ONLY COPY).

The authoritative reference and input builder live on the scoring server;
editing this copy changes nothing except your own understanding.
"""

import jax, jax.numpy as jnp
import numpy as np

B = 16384
N_USERS = 1000000
N_MOVIES = 100000
N_GENRES = 19
N_TITLE_VOCAB = 50000
GENRE_LEN = 18
TITLE_LEN = 15
D_ID = 64
D_CAT = 32
D_HID = 64
D_OUT = 200


def setup_inputs(seed: int = 0) -> dict:
    key = jax.random.key(seed)
    ks = jax.random.split(key, 32)
    s = 0.02
    inp = {}
    # forward index args
    inp["uid_tensor"] = jax.random.randint(ks[0], (B,), 0, N_USERS)
    inp["gender_tensor"] = jax.random.randint(ks[1], (B,), 0, 2)
    inp["age_tensor"] = jax.random.randint(ks[2], (B,), 0, 7)
    inp["job_tensor"] = jax.random.randint(ks[3], (B,), 0, 21)
    inp["movies_tensor"] = jax.random.randint(ks[4], (B,), 0, N_MOVIES)
    inp["genres_tensor"] = jax.random.randint(ks[5], (B, GENRE_LEN), 0, N_GENRES)
    inp["title_tensor"] = jax.random.randint(ks[6], (B, TITLE_LEN), 0, N_TITLE_VOCAB)
    # embedding tables (UserFeatureLayer / MovieFeatureLayer params)
    inp["uid_table"] = jax.random.normal(ks[7], (N_USERS, D_ID)) * s
    inp["gender_table"] = jax.random.normal(ks[8], (2, D_CAT)) * s
    inp["age_table"] = jax.random.normal(ks[9], (7, D_CAT)) * s
    inp["job_table"] = jax.random.normal(ks[10], (21, D_CAT)) * s
    inp["movie_table"] = jax.random.normal(ks[11], (N_MOVIES, D_ID)) * s
    inp["genre_table"] = jax.random.normal(ks[12], (N_GENRES, D_CAT)) * s
    inp["title_table"] = jax.random.normal(ks[13], (N_TITLE_VOCAB, D_CAT)) * s
    # per-feature FC layers
    inp["W_uid"] = jax.random.normal(ks[14], (D_ID, D_HID)) * s
    inp["b_uid"] = jnp.zeros((D_HID,))
    inp["W_gender"] = jax.random.normal(ks[15], (D_CAT, D_HID)) * s
    inp["b_gender"] = jnp.zeros((D_HID,))
    inp["W_age"] = jax.random.normal(ks[16], (D_CAT, D_HID)) * s
    inp["b_age"] = jnp.zeros((D_HID,))
    inp["W_job"] = jax.random.normal(ks[17], (D_CAT, D_HID)) * s
    inp["b_job"] = jnp.zeros((D_HID,))
    inp["W_user"] = jax.random.normal(ks[18], (4 * D_HID, D_OUT)) * s
    inp["b_user"] = jnp.zeros((D_OUT,))
    inp["W_mid"] = jax.random.normal(ks[19], (D_ID, D_HID)) * s
    inp["b_mid"] = jnp.zeros((D_HID,))
    inp["W_genre"] = jax.random.normal(ks[20], (D_CAT, D_HID)) * s
    inp["b_genre"] = jnp.zeros((D_HID,))
    inp["W_title"] = jax.random.normal(ks[21], (D_CAT, D_HID)) * s
    inp["b_title"] = jnp.zeros((D_HID,))
    inp["W_movie"] = jax.random.normal(ks[22], (3 * D_HID, D_OUT)) * s
    inp["b_movie"] = jnp.zeros((D_OUT,))
    return inp


def reference(uid_tensor, gender_tensor, age_tensor, job_tensor,
              movies_tensor, genres_tensor, title_tensor,
              uid_table, gender_table, age_table, job_table,
              movie_table, genre_table, title_table,
              W_uid, b_uid, W_gender, b_gender, W_age, b_age, W_job, b_job,
              W_user, b_user, W_mid, b_mid, W_genre, b_genre,
              W_title, b_title, W_movie, b_movie):
    # UserFeatureLayer
    u_uid = jax.nn.relu(jnp.take(uid_table, uid_tensor, axis=0) @ W_uid + b_uid)
    u_gen = jax.nn.relu(jnp.take(gender_table, gender_tensor, axis=0) @ W_gender + b_gender)
    u_age = jax.nn.relu(jnp.take(age_table, age_tensor, axis=0) @ W_age + b_age)
    u_job = jax.nn.relu(jnp.take(job_table, job_tensor, axis=0) @ W_job + b_job)
    user_features = jnp.tanh(jnp.concatenate([u_uid, u_gen, u_age, u_job], axis=1) @ W_user + b_user)
    # MovieFeatureLayer
    m_id = jax.nn.relu(jnp.take(movie_table, movies_tensor, axis=0) @ W_mid + b_mid)
    genre_vec = jnp.sum(jnp.take(genre_table, genres_tensor, axis=0), axis=1)
    m_genre = jax.nn.relu(genre_vec @ W_genre + b_genre)
    title_vec = jnp.mean(jnp.take(title_table, title_tensor, axis=0), axis=1)
    m_title = jax.nn.relu(title_vec @ W_title + b_title)
    movie_features = jnp.tanh(jnp.concatenate([m_id, m_genre, m_title], axis=1) @ W_movie + b_movie)
    # dot-product rating head
    inference = jnp.sum(user_features * movie_features, axis=1)
    return inference[:, None]

if __name__ == "__main__":
    import jax
    _d = setup_inputs()
    print(jax.jit(kernel)(*tuple(_d.values())))

</pallas_src>

<mosaic_0001>
#map = affine_map<(d0, d1) -> (0, 0)>
module attributes {stable_mosaic.version = 14 : i64} {
  func.func @k(%arg0: i32, %arg1: i32, %arg2: memref<16384x15xi32, #tpu.memory_space<hbm>>, %arg3: memref<50000x32xf32, #tpu.memory_space<hbm>>, %arg4: memref<16384x32xf32, #tpu.memory_space<hbm>>, %arg5: memref<!tpu.dma_semaphore, #tpu.memory_space<semaphore_mem>>, %arg6: memref<!tpu.dma_semaphore, #tpu.memory_space<semaphore_mem>>, %arg7: memref<!tpu.dma_semaphore, #tpu.memory_space<semaphore_mem>>, %arg8: memref<512x32xf32, #tpu.memory_space<vmem>>, %arg9: memref<512x32xf32, #tpu.memory_space<vmem>>, %arg10: memref<512x32xf32, #tpu.memory_space<vmem>>, %arg11: memref<512xi32, #tpu.memory_space<vmem>>, %arg12: memref<512xi32, #tpu.memory_space<vmem>>, %arg13: memref<512xi32, #tpu.memory_space<vmem>>, %arg14: memref<512xi32, #tpu.memory_space<vmem>>, %arg15: memref<512xi32, #tpu.memory_space<vmem>>, %arg16: memref<512xi32, #tpu.memory_space<vmem>>, %arg17: memref<512xi32, #tpu.memory_space<vmem>>, %arg18: memref<512xi32, #tpu.memory_space<vmem>>, %arg19: memref<512xi32, #tpu.memory_space<vmem>>, %arg20: memref<512xi32, #tpu.memory_space<vmem>>, %arg21: memref<512xi32, #tpu.memory_space<vmem>>, %arg22: memref<512xi32, #tpu.memory_space<vmem>>, %arg23: memref<512xi32, #tpu.memory_space<vmem>>, %arg24: memref<512xi32, #tpu.memory_space<vmem>>, %arg25: memref<512xi32, #tpu.memory_space<vmem>>, %arg26: memref<512x15xi32, #tpu.memory_space<vmem>>) attributes {dimension_semantics = [#tpu.dimension_semantics<core_parallel>, #tpu.dimension_semantics<subcore_parallel>], iteration_bounds = array<i64: 2, 16>, scalar_prefetch = 0 : i64, scratch_operands = 22 : i64, tpu.core_type = #tpu.core_type<sc_vector_subcore>, window_params = [{transform_indices = #map}, {transform_indices = #map}, {transform_indices = #map}]} {
    %mul3A = arith.constant 2 : i32
    %mul3A_0 = arith.muli %arg1, %mul3A : i32
    %add3A = arith.addi %mul3A_0, %arg0 : i32
    %mul3A_1 = arith.constant 512 : i32
    %mul3A_2 = arith.muli %add3A, %mul3A_1 : i32
    "tpu.region"() ({
      %run_scoped3A = tpu.sem_alloc : memref<!tpu.dma_semaphore, #tpu.memory_space<semaphore_mem>>
      %dma_start3A_180 = arith.constant 0 : i32
      %dma_start3A_181 = tpu.memref_slice %arg2[%mul3A_2, %dma_start3A_180] : memref<16384x15xi32, #tpu.memory_space<hbm>> -> memref<512x15xi32, #tpu.memory_space<hbm>>
      %dma_start3A_182 = arith.constant 0 : i32
      %dma_start3A_183 = tpu.memref_slice %arg2[%mul3A_2, %dma_start3A_182] : memref<16384x15xi32, #tpu.memory_space<hbm>> -> memref<512x15xi32, #tpu.memory_space<hbm>>
      tpu.enqueue_dma source(%dma_start3A_183 : memref<512x15xi32, #tpu.memory_space<hbm>>) target(%arg26 : memref<512x15xi32, #tpu.memory_space<vmem>>) target_semaphore(%run_scoped3A : memref<!tpu.dma_semaphore, #tpu.memory_space<semaphore_mem>>)
      %dma_wait3A_184 = arith.constant 0 : i32
      %dma_wait3A_185 = tpu.memref_slice %arg2[%mul3A_2, %dma_wait3A_184] : memref<16384x15xi32, #tpu.memory_space<hbm>> -> memref<512x15xi32, #tpu.memory_space<hbm>>
      %dma_wait3A_186 = arith.constant 0 : i32
      %dma_wait3A_187 = tpu.memref_slice %arg2[%mul3A_2, %dma_wait3A_186] : memref<16384x15xi32, #tpu.memory_space<hbm>> -> memref<512x15xi32, #tpu.memory_space<hbm>>
      tpu.wait_dma2 semaphore(%run_scoped3A : memref<!tpu.dma_semaphore, #tpu.memory_space<semaphore_mem>>) src(%dma_wait3A_187 : memref<512x15xi32, #tpu.memory_space<hbm>>) dst(%arg26 : memref<512x15xi32, #tpu.memory_space<vmem>>)
      tpu.yield
    }) : () -> ()
    %iota3A = tpu.iota {dimensions = array<i32: 0>} : vector<16xi32>
    %scan3A = arith.constant 0 : i32
    %scan3A_3 = arith.constant 0 : i32
    %scan3A_4 = arith.constant 32 : i32
    %scan3A_5 = arith.addi %scan3A_3, %scan3A_4 : i32
    %scan3A_6 = arith.constant 1 : i32
    scf.for %scan3A_180 = %scan3A_3 to %scan3A_5 step %scan3A_6  : i32 {
      %mul3A_181 = arith.constant 16 : i32
      %mul3A_182 = arith.muli %scan3A_180, %mul3A_181 : i32
      %add3A_183 = vector.broadcast %mul3A_182 : i32 to vector<16xi32>
      %add3A_184 = arith.addi %add3A_183, %iota3A : vector<16xi32>
      %broadcast_in_dim3A = arith.constant 0 : i32
      %broadcast_in_dim3A_185 = vector.broadcast %broadcast_in_dim3A : i32 to vector<16xi32>
      %gather3A = tpu.vector_load_idx %arg26[%add3A_184, %broadcast_in_dim3A_185] : memref<512x15xi32, #tpu.memory_space<vmem>>[vector<16xi32>, vector<16xi32>], vector<16xi32>,
      %mul3A_186 = arith.constant 16 : i32
      %mul3A_187 = arith.muli %scan3A_180, %mul3A_186 : i32
      %swap3A = arith.index_cast %mul3A_187 : i32 to index
      %swap3A_188 = tpu.vector_load %arg11[%swap3A] {strides = array<i32>} : memref<512xi32, #tpu.memory_space<vmem>>, vector<16xi32>,
      tpu.vector_store %arg11[%swap3A], %gather3A {strides = array<i32>} : memref<512xi32, #tpu.memory_space<vmem>>, vector<16xi32>,
      %broadcast_in_dim3A_189 = arith.constant 1 : i32
      %broadcast_in_dim3A_190 = vector.broadcast %broadcast_in_dim3A_189 : i32 to vector<16xi32>
      %gather3A_191 = tpu.vector_load_idx %arg26[%add3A_184, %broadcast_in_dim3A_190] : memref<512x15xi32, #tpu.memory_space<vmem>>[vector<16xi32>, vector<16xi32>], vector<16xi32>,
      %mul3A_192 = arith.constant 16 : i32
      %mul3A_193 = arith.muli %scan3A_180, %mul3A_192 : i32
      %swap3A_194 = arith.index_cast %mul3A_193 : i32 to index
      %swap3A_195 = tpu.vector_load %arg12[%swap3A_194] {strides = array<i32>} : memref<512xi32, #tpu.memory_space<vmem>>, vector<16xi32>,
      tpu.vector_store %arg12[%swap3A_194], %gather3A_191 {strides = array<i32>} : memref<512xi32, #tpu.memory_space<vmem>>, vector<16xi32>,
      %broadcast_in_dim3A_196 = arith.constant 2 : i32
      %broadcast_in_dim3A_197 = vector.broadcast %broadcast_in_dim3A_196 : i32 to vector<16xi32>
      %gather3A_198 = tpu.vector_load_idx %arg26[%add3A_184, %broadcast_in_dim3A_197] : memref<512x15xi32, #tpu.memory_space<vmem>>[vector<16xi32>, vector<16xi32>], vector<16xi32>,
      %mul3A_199 = arith.constant 16 : i32
      %mul3A_200 = arith.muli %scan3A_180, %mul3A_199 : i32
      %swap3A_201 = arith.index_cast %mul3A_200 : i32 to index
      %swap3A_202 = tpu.vector_load %arg13[%swap3A_201] {strides = array<i32>} : memref<512xi32, #tpu.memory_space<vmem>>, vector<16xi32>,
      tpu.vector_store %arg13[%swap3A_201], %gather3A_198 {strides = array<i32>} : memref<512xi32, #tpu.memory_space<vmem>>, vector<16xi32>,
      %broadcast_in_dim3A_203 = arith.constant 3 : i32
      %broadcast_in_dim3A_204 = vector.broadcast %broadcast_in_dim3A_203 : i32 to vector<16xi32>
      %gather3A_205 = tpu.vector_load_idx %arg26[%add3A_184, %broadcast_in_dim3A_204] : memref<512x15xi32, #tpu.memory_space<vmem>>[vector<16xi32>, vector<16xi32>], vector<16xi32>,
      %mul3A_206 = arith.constant 16 : i32
      %mul3A_207 = arith.muli %scan3A_180, %mul3A_206 : i32
      %swap3A_208 = arith.index_cast %mul3A_207 : i32 to index
      %swap3A_209 = tpu.vector_load %arg14[%swap3A_208] {strides = array<i32>} : memref<512xi32, #tpu.memory_space<vmem>>, vector<16xi32>,
      tpu.vector_store %arg14[%swap3A_208], %gather3A_205 {strides = array<i32>} : memref<512xi32, #tpu.memory_space<vmem>>, vector<16xi32>,
      %broadcast_in_dim3A_210 = arith.constant 4 : i32
      %broadcast_in_dim3A_211 = vector.broadcast %broadcast_in_dim3A_210 : i32 to vector<16xi32>
      %gather3A_212 = tpu.vector_load_idx %arg26[%add3A_184, %broadcast_in_dim3A_211] : memref<512x15xi32, #tpu.memory_space<vmem>>[vector<16xi32>, vector<16xi32>], vector<16xi32>,
      %mul3A_213 = arith.constant 16 : i32
      %mul3A_214 = arith.muli %scan3A_180, %mul3A_213 : i32
      %swap3A_215 = arith.index_cast %mul3A_214 : i32 to index
      %swap3A_216 = tpu.vector_load %arg15[%swap3A_215] {strides = array<i32>} : memref<512xi32, #tpu.memory_space<vmem>>, vector<16xi32>,
      tpu.vector_store %arg15[%swap3A_215], %gather3A_212 {strides = array<i32>} : memref<512xi32, #tpu.memory_space<vmem>>, vector<16xi32>,
      %broadcast_in_dim3A_217 = arith.constant 5 : i32
      %broadcast_in_dim3A_218 = vector.broadcast %broadcast_in_dim3A_217 : i32 to vector<16xi32>
      %gather3A_219 = tpu.vector_load_idx %arg26[%add3A_184, %broadcast_in_dim3A_218] : memref<512x15xi32, #tpu.memory_space<vmem>>[vector<16xi32>, vector<16xi32>], vector<16xi32>,
      %mul3A_220 = arith.constant 16 : i32
      %mul3A_221 = arith.muli %scan3A_180, %mul3A_220 : i32
      %swap3A_222 = arith.index_cast %mul3A_221 : i32 to index
      %swap3A_223 = tpu.vector_load %arg16[%swap3A_222] {strides = array<i32>} : memref<512xi32, #tpu.memory_space<vmem>>, vector<16xi32>,
      tpu.vector_store %arg16[%swap3A_222], %gather3A_219 {strides = array<i32>} : memref<512xi32, #tpu.memory_space<vmem>>, vector<16xi32>,
      %broadcast_in_dim3A_224 = arith.constant 6 : i32
      %broadcast_in_dim3A_225 = vector.broadcast %broadcast_in_dim3A_224 : i32 to vector<16xi32>
      %gather3A_226 = tpu.vector_load_idx %arg26[%add3A_184, %broadcast_in_dim3A_225] : memref<512x15xi32, #tpu.memory_space<vmem>>[vector<16xi32>, vector<16xi32>], vector<16xi32>,
      %mul3A_227 = arith.constant 16 : i32
      %mul3A_228 = arith.muli %scan3A_180, %mul3A_227 : i32
      %swap3A_229 = arith.index_cast %mul3A_228 : i32 to index
      %swap3A_230 = tpu.vector_load %arg17[%swap3A_229] {strides = array<i32>} : memref<512xi32, #tpu.memory_space<vmem>>, vector<16xi32>,
      tpu.vector_store %arg17[%swap3A_229], %gather3A_226 {strides = array<i32>} : memref<512xi32, #tpu.memory_space<vmem>>, vector<16xi32>,
      %broadcast_in_dim3A_231 = arith.constant 7 : i32
      %broadcast_in_dim3A_232 = vector.broadcast %broadcast_in_dim3A_231 : i32 to vector<16xi32>
      %gather3A_233 = tpu.vector_load_idx %arg26[%add3A_184, %broadcast_in_dim3A_232] : memref<512x15xi32, #tpu.memory_space<vmem>>[vector<16xi32>, vector<16xi32>], vector<16xi32>,
      %mul3A_234 = arith.constant 16 : i32
      %mul3A_235 = arith.muli %scan3A_180, %mul3A_234 : i32
      %swap3A_236 = arith.index_cast %mul3A_235 : i32 to index
      %swap3A_237 = tpu.vector_load %arg18[%swap3A_236] {strides = array<i32>} : memref<512xi32, #tpu.memory_space<vmem>>, vector<16xi32>,
      tpu.vector_store %arg18[%swap3A_236], %gather3A_233 {strides = array<i32>} : memref<512xi32, #tpu.memory_space<vmem>>, vector<16xi32>,
      %broadcast_in_dim3A_238 = arith.constant 8 : i32
      %broadcast_in_dim3A_239 = vector.broadcast %broadcast_in_dim3A_238 : i32 to vector<16xi32>
      %gather3A_240 = tpu.vector_load_idx %arg26[%add3A_184, %broadcast_in_dim3A_239] : memref<512x15xi32, #tpu.memory_space<vmem>>[vector<16xi32>, vector<16xi32>], vector<16xi32>,
      %mul3A_241 = arith.constant 16 : i32
      %mul3A_242 = arith.muli %scan3A_180, %mul3A_241 : i32
      %swap3A_243 = arith.index_cast %mul3A_242 : i32 to index
      %swap3A_244 = tpu.vector_load %arg19[%swap3A_243] {strides = array<i32>} : memref<512xi32, #tpu.memory_space<vmem>>, vector<16xi32>,
      tpu.vector_store %arg19[%swap3A_243], %gather3A_240 {strides = array<i32>} : memref<512xi32, #tpu.memory_space<vmem>>, vector<16xi32>,
      %broadcast_in_dim3A_245 = arith.constant 9 : i32
      %broadcast_in_dim3A_246 = vector.broadcast %broadcast_in_dim3A_245 : i32 to vector<16xi32>
      %gather3A_247 = tpu.vector_load_idx %arg26[%add3A_184, %broadcast_in_dim3A_246] : memref<512x15xi32, #tpu.memory_space<vmem>>[vector<16xi32>, vector<16xi32>], vector<16xi32>,
      %mul3A_248 = arith.constant 16 : i32
      %mul3A_249 = arith.muli %scan3A_180, %mul3A_248 : i32
      %swap3A_250 = arith.index_cast %mul3A_249 : i32 to index
      %swap3A_251 = tpu.vector_load %arg20[%swap3A_250] {strides = array<i32>} : memref<512xi32, #tpu.memory_space<vmem>>, vector<16xi32>,
      tpu.vector_store %arg20[%swap3A_250], %gather3A_247 {strides = array<i32>} : memref<512xi32, #tpu.memory_space<vmem>>, vector<16xi32>,
      %broadcast_in_dim3A_252 = arith.constant 10 : i32
      %broadcast_in_dim3A_253 = vector.broadcast %broadcast_in_dim3A_252 : i32 to vector<16xi32>
      %gather3A_254 = tpu.vector_load_idx %arg26[%add3A_184, %broadcast_in_dim3A_253] : memref<512x15xi32, #tpu.memory_space<vmem>>[vector<16xi32>, vector<16xi32>], vector<16xi32>,
      %mul3A_255 = arith.constant 16 : i32
      %mul3A_256 = arith.muli %scan3A_180, %mul3A_255 : i32
      %swap3A_257 = arith.index_cast %mul3A_256 : i32 to index
      %swap3A_258 = tpu.vector_load %arg21[%swap3A_257] {strides = array<i32>} : memref<512xi32, #tpu.memory_space<vmem>>, vector<16xi32>,
      tpu.vector_store %arg21[%swap3A_257], %gather3A_254 {strides = array<i32>} : memref<512xi32, #tpu.memory_space<vmem>>, vector<16xi32>,
      %broadcast_in_dim3A_259 = arith.constant 11 : i32
      %broadcast_in_dim3A_260 = vector.broadcast %broadcast_in_dim3A_259 : i32 to vector<16xi32>
      %gather3A_261 = tpu.vector_load_idx %arg26[%add3A_184, %broadcast_in_dim3A_260] : memref<512x15xi32, #tpu.memory_space<vmem>>[vector<16xi32>, vector<16xi32>], vector<16xi32>,
      %mul3A_262 = arith.constant 16 : i32
      %mul3A_263 = arith.muli %scan3A_180, %mul3A_262 : i32
      %swap3A_264 = arith.index_cast %mul3A_263 : i32 to index
      %swap3A_265 = tpu.vector_load %arg22[%swap3A_264] {strides = array<i32>} : memref<512xi32, #tpu.memory_space<vmem>>, vector<16xi32>,
      tpu.vector_store %arg22[%swap3A_264], %gather3A_261 {strides = array<i32>} : memref<512xi32, #tpu.memory_space<vmem>>, vector<16xi32>,
      %broadcast_in_dim3A_266 = arith.constant 12 : i32
      %broadcast_in_dim3A_267 = vector.broadcast %broadcast_in_dim3A_266 : i32 to vector<16xi32>
      %gather3A_268 = tpu.vector_load_idx %arg26[%add3A_184, %broadcast_in_dim3A_267] : memref<512x15xi32, #tpu.memory_space<vmem>>[vector<16xi32>, vector<16xi32>], vector<16xi32>,
      %mul3A_269 = arith.constant 16 : i32
      %mul3A_270 = arith.muli %scan3A_180, %mul3A_269 : i32
      %swap3A_271 = arith.index_cast %mul3A_270 : i32 to index
      %swap3A_272 = tpu.vector_load %arg23[%swap3A_271] {strides = array<i32>} : memref<512xi32, #tpu.memory_space<vmem>>, vector<16xi32>,
      tpu.vector_store %arg23[%swap3A_271], %gather3A_268 {strides = array<i32>} : memref<512xi32, #tpu.memory_space<vmem>>, vector<16xi32>,
      %broadcast_in_dim3A_273 = arith.constant 13 : i32
      %broadcast_in_dim3A_274 = vector.broadcast %broadcast_in_dim3A_273 : i32 to vector<16xi32>
      %gather3A_275 = tpu.vector_load_idx %arg26[%add3A_184, %broadcast_in_dim3A_274] : memref<512x15xi32, #tpu.memory_space<vmem>>[vector<16xi32>, vector<16xi32>], vector<16xi32>,
      %mul3A_276 = arith.constant 16 : i32
      %mul3A_277 = arith.muli %scan3A_180, %mul3A_276 : i32
      %swap3A_278 = arith.index_cast %mul3A_277 : i32 to index
      %swap3A_279 = tpu.vector_load %arg24[%swap3A_278] {strides = array<i32>} : memref<512xi32, #tpu.memory_space<vmem>>, vector<16xi32>,
      tpu.vector_store %arg24[%swap3A_278], %gather3A_275 {strides = array<i32>} : memref<512xi32, #tpu.memory_space<vmem>>, vector<16xi32>,
      %broadcast_in_dim3A_280 = arith.constant 14 : i32
      %broadcast_in_dim3A_281 = vector.broadcast %broadcast_in_dim3A_280 : i32 to vector<16xi32>
      %gather3A_282 = tpu.vector_load_idx %arg26[%add3A_184, %broadcast_in_dim3A_281] : memref<512x15xi32, #tpu.memory_space<vmem>>[vector<16xi32>, vector<16xi32>], vector<16xi32>,
      %mul3A_283 = arith.constant 16 : i32
      %mul3A_284 = arith.muli %scan3A_180, %mul3A_283 : i32
      %swap3A_285 = arith.index_cast %mul3A_284 : i32 to index
      %swap3A_286 = tpu.vector_load %arg25[%swap3A_285] {strides = array<i32>} : memref<512xi32, #tpu.memory_space<vmem>>, vector<16xi32>,
      tpu.vector_store %arg25[%swap3A_285], %gather3A_282 {strides = array<i32>} : memref<512xi32, #tpu.memory_space<vmem>>, vector<16xi32>,
    }
    %scan3A_7 = arith.constant 32 : i32
    %dma_start3A = arith.constant 0 : i32
    %dma_start3A_8 = arith.constant 0 : i32
    %dma_start3A_9 = tpu.memref_slice %arg3[%dma_start3A, %dma_start3A_8] : memref<50000x32xf32, #tpu.memory_space<hbm>> -> memref<50000x32xf32, #tpu.memory_space<hbm>>
    tpu.enqueue_indirect_dma source(%dma_start3A_9 : memref<50000x32xf32, #tpu.memory_space<hbm>>) target(%arg8 : memref<512x32xf32, #tpu.memory_space<vmem>>) offsets(%arg11 : memref<512xi32, #tpu.memory_space<vmem>>) semaphore(%arg7 : memref<!tpu.dma_semaphore, #tpu.memory_space<semaphore_mem>>)
    %dma_start3A_10 = arith.constant 0 : i32
    %dma_start3A_11 = arith.constant 0 : i32
    %dma_start3A_12 = tpu.memref_slice %arg3[%dma_start3A_10, %dma_start3A_11] : memref<50000x32xf32, #tpu.memory_space<hbm>> -> memref<50000x32xf32, #tpu.memory_space<hbm>>
    tpu.enqueue_indirect_dma source(%dma_start3A_12 : memref<50000x32xf32, #tpu.memory_space<hbm>>) target(%arg10 : memref<512x32xf32, #tpu.memory_space<vmem>>) offsets(%arg12 : memref<512xi32, #tpu.memory_space<vmem>>) semaphore(%arg6 : memref<!tpu.dma_semaphore, #tpu.memory_space<semaphore_mem>>)
    %dma_start3A_13 = arith.constant 0 : i32
    %dma_start3A_14 = arith.constant 0 : i32
    %dma_start3A_15 = tpu.memref_slice %arg3[%dma_start3A_13, %dma_start3A_14] : memref<50000x32xf32, #tpu.memory_space<hbm>> -> memref<50000x32xf32, #tpu.memory_space<hbm>>
    tpu.enqueue_indirect_dma source(%dma_start3A_15 : memref<50000x32xf32, #tpu.memory_space<hbm>>) target(%arg9 : memref<512x32xf32, #tpu.memory_space<vmem>>) offsets(%arg13 : memref<512xi32, #tpu.memory_space<vmem>>) semaphore(%arg5 : memref<!tpu.dma_semaphore, #tpu.memory_space<semaphore_mem>>)
    %dma_wait3A = arith.constant 0 : i32
    %dma_wait3A_16 = arith.constant 0 : i32
    %dma_wait3A_17 = tpu.memref_slice %arg3[%dma_wait3A, %dma_wait3A_16] : memref<50000x32xf32, #tpu.memory_space<hbm>> -> memref<50000x32xf32, #tpu.memory_space<hbm>>
    tpu.wait_indirect_dma semaphore(%arg7 : memref<!tpu.dma_semaphore, #tpu.memory_space<semaphore_mem>>) src(%dma_wait3A_17 : memref<50000x32xf32, #tpu.memory_space<hbm>>) dst(%arg8 : memref<512x32xf32, #tpu.memory_space<vmem>>)
    %dma_wait3A_18 = arith.constant 0 : i32
    %dma_wait3A_19 = arith.constant 0 : i32
    %dma_wait3A_20 = tpu.memref_slice %arg3[%dma_wait3A_18, %dma_wait3A_19] : memref<50000x32xf32, #tpu.memory_space<hbm>> -> memref<50000x32xf32, #tpu.memory_space<hbm>>
    tpu.wait_indirect_dma semaphore(%arg6 : memref<!tpu.dma_semaphore, #tpu.memory_space<semaphore_mem>>) src(%dma_wait3A_20 : memref<50000x32xf32, #tpu.memory_space<hbm>>) dst(%arg10 : memref<512x32xf32, #tpu.memory_space<vmem>>)
    %scan3A_21 = arith.constant 0 : i32
    %scan3A_22 = arith.constant 0 : i32
    %scan3A_23 = arith.constant 512 : i32
    %scan3A_24 = arith.addi %scan3A_22, %scan3A_23 : i32
    %scan3A_25 = arith.constant 1 : i32
    scf.for %scan3A_180 = %scan3A_22 to %scan3A_24 step %scan3A_25  : i32 {
      %get3A = arith.index_cast %scan3A_180 : i32 to index
      %get3A_181 = arith.constant 0 : index
      %get3A_182 = tpu.vector_load %arg8[%get3A, %get3A_181] {strides = array<i32>} : memref<512x32xf32, #tpu.memory_space<vmem>>, vector<16xf32>,
      %get3A_183 = arith.index_cast %scan3A_180 : i32 to index
      %get3A_184 = arith.constant 0 : index
      %get3A_185 = tpu.vector_load %arg10[%get3A_183, %get3A_184] {strides = array<i32>} : memref<512x32xf32, #tpu.memory_space<vmem>>, vector<16xf32>,
      %add3A_186 = arith.addf %get3A_182, %get3A_185 : vector<16xf32>
      %swap3A = arith.index_cast %scan3A_180 : i32 to index
      %swap3A_187 = arith.constant 0 : index
      %swap3A_188 = tpu.vector_load %arg8[%swap3A, %swap3A_187] {strides = array<i32>} : memref<512x32xf32, #tpu.memory_space<vmem>>, vector<16xf32>,
      tpu.vector_store %arg8[%swap3A, %swap3A_187], %add3A_186 {strides = array<i32>} : memref<512x32xf32, #tpu.memory_space<vmem>>, vector<16xf32>,
      %get3A_189 = arith.index_cast %scan3A_180 : i32 to index
      %get3A_190 = arith.constant 16 : index
      %get3A_191 = tpu.vector_load %arg8[%get3A_189, %get3A_190] {strides = array<i32>} : memref<512x32xf32, #tpu.memory_space<vmem>>, vector<16xf32>,
      %get3A_192 = arith.index_cast %scan3A_180 : i32 to index
      %get3A_193 = arith.constant 16 : index
      %get3A_194 = tpu.vector_load %arg10[%get3A_192, %get3A_193] {strides = array<i32>} : memref<512x32xf32, #tpu.memory_space<vmem>>, vector<16xf32>,
      %add3A_195 = arith.addf %get3A_191, %get3A_194 : vector<16xf32>
      %swap3A_196 = arith.index_cast %scan3A_180 : i32 to index
      %swap3A_197 = arith.constant 16 : index
      %swap3A_198 = tpu.vector_load %arg8[%swap3A_196, %swap3A_197] {strides = array<i32>} : memref<512x32xf32, #tpu.memory_space<vmem>>, vector<16xf32>,
      tpu.vector_store %arg8[%swap3A_196, %swap3A_197], %add3A_195 {strides = array<i32>} : memref<512x32xf32, #tpu.memory_space<vmem>>, vector<16xf32>,
    }
    %scan3A_26 = arith.constant 512 : i32
    %dma_start3A_27 = arith.constant 0 : i32
    %dma_start3A_28 = arith.constant 0 : i32
    %dma_start3A_29 = tpu.memref_slice %arg3[%dma_start3A_27, %dma_start3A_28] : memref<50000x32xf32, #tpu.memory_space<hbm>> -> memref<50000x32xf32, #tpu.memory_space<hbm>>
    tpu.enqueue_indirect_dma source(%dma_start3A_29 : memref<50000x32xf32, #tpu.memory_space<hbm>>) target(%arg10 : memref<512x32xf32, #tpu.memory_space<vmem>>) offsets(%arg14 : memref<512xi32, #tpu.memory_space<vmem>>) semaphore(%arg6 : memref<!tpu.dma_semaphore, #tpu.memory_space<semaphore_mem>>)
    %dma_wait3A_30 = arith.constant 0 : i32
    %dma_wait3A_31 = arith.constant 0 : i32
    %dma_wait3A_32 = tpu.memref_slice %arg3[%dma_wait3A_30, %dma_wait3A_31] : memref<50000x32xf32, #tpu.memory_space<hbm>> -> memref<50000x32xf32, #tpu.memory_space<hbm>>
    tpu.wait_indirect_dma semaphore(%arg5 : memref<!tpu.dma_semaphore, #tpu.memory_space<semaphore_mem>>) src(%dma_wait3A_32 : memref<50000x32xf32, #tpu.memory_space<hbm>>) dst(%arg9 : memref<512x32xf32, #tpu.memory_space<vmem>>)
    %scan3A_33 = arith.constant 0 : i32
    %scan3A_34 = arith.constant 0 : i32
    %scan3A_35 = arith.constant 512 : i32
    %scan3A_36 = arith.addi %scan3A_34, %scan3A_35 : i32
    %scan3A_37 = arith.constant 1 : i32
    scf.for %scan3A_180 = %scan3A_34 to %scan3A_36 step %scan3A_37  : i32 {
      %get3A = arith.index_cast %scan3A_180 : i32 to index
      %get3A_181 = arith.constant 0 : index
      %get3A_182 = tpu.vector_load %arg8[%get3A, %get3A_181] {strides = array<i32>} : memref<512x32xf32, #tpu.memory_space<vmem>>, vector<16xf32>,
      %get3A_183 = arith.index_cast %scan3A_180 : i32 to index
      %get3A_184 = arith.constant 0 : index
      %get3A_185 = tpu.vector_load %arg9[%get3A_183, %get3A_184] {strides = array<i32>} : memref<512x32xf32, #tpu.memory_space<vmem>>, vector<16xf32>,
      %add3A_186 = arith.addf %get3A_182, %get3A_185 : vector<16xf32>
      %swap3A = arith.index_cast %scan3A_180 : i32 to index
      %swap3A_187 = arith.constant 0 : index
      %swap3A_188 = tpu.vector_load %arg8[%swap3A, %swap3A_187] {strides = array<i32>} : memref<512x32xf32, #tpu.memory_space<vmem>>, vector<16xf32>,
      tpu.vector_store %arg8[%swap3A, %swap3A_187], %add3A_186 {strides = array<i32>} : memref<512x32xf32, #tpu.memory_space<vmem>>, vector<16xf32>,
      %get3A_189 = arith.index_cast %scan3A_180 : i32 to index
      %get3A_190 = arith.constant 16 : index
      %get3A_191 = tpu.vector_load %arg8[%get3A_189, %get3A_190] {strides = array<i32>} : memref<512x32xf32, #tpu.memory_space<vmem>>, vector<16xf32>,
      %get3A_192 = arith.index_cast %scan3A_180 : i32 to index
      %get3A_193 = arith.constant 16 : index
      %get3A_194 = tpu.vector_load %arg9[%get3A_192, %get3A_193] {strides = array<i32>} : memref<512x32xf32, #tpu.memory_space<vmem>>, vector<16xf32>,
      %add3A_195 = arith.addf %get3A_191, %get3A_194 : vector<16xf32>
      %swap3A_196 = arith.index_cast %scan3A_180 : i32 to index
      %swap3A_197 = arith.constant 16 : index
      %swap3A_198 = tpu.vector_load %arg8[%swap3A_196, %swap3A_197] {strides = array<i32>} : memref<512x32xf32, #tpu.memory_space<vmem>>, vector<16xf32>,
      tpu.vector_store %arg8[%swap3A_196, %swap3A_197], %add3A_195 {strides = array<i32>} : memref<512x32xf32, #tpu.memory_space<vmem>>, vector<16xf32>,
    }
    %scan3A_38 = arith.constant 512 : i32
    %dma_start3A_39 = arith.constant 0 : i32
    %dma_start3A_40 = arith.constant 0 : i32
    %dma_start3A_41 = tpu.memref_slice %arg3[%dma_start3A_39, %dma_start3A_40] : memref<50000x32xf32, #tpu.memory_space<hbm>> -> memref<50000x32xf32, #tpu.memory_space<hbm>>
    tpu.enqueue_indirect_dma source(%dma_start3A_41 : memref<50000x32xf32, #tpu.memory_space<hbm>>) target(%arg9 : memref<512x32xf32, #tpu.memory_space<vmem>>) offsets(%arg15 : memref<512xi32, #tpu.memory_space<vmem>>) semaphore(%arg5 : memref<!tpu.dma_semaphore, #tpu.memory_space<semaphore_mem>>)
    %dma_wait3A_42 = arith.constant 0 : i32
    %dma_wait3A_43 = arith.constant 0 : i32
    %dma_wait3A_44 = tpu.memref_slice %arg3[%dma_wait3A_42, %dma_wait3A_43] : memref<50000x32xf32, #tpu.memory_space<hbm>> -> memref<50000x32xf32, #tpu.memory_space<hbm>>
    tpu.wait_indirect_dma semaphore(%arg6 : memref<!tpu.dma_semaphore, #tpu.memory_space<semaphore_mem>>) src(%dma_wait3A_44 : memref<50000x32xf32, #tpu.memory_space<hbm>>) dst(%arg10 : memref<512x32xf32, #tpu.memory_space<vmem>>)
    %scan3A_45 = arith.constant 0 : i32
    %scan3A_46 = arith.constant 0 : i32
    %scan3A_47 = arith.constant 512 : i32
    %scan3A_48 = arith.addi %scan3A_46, %scan3A_47 : i32
    %scan3A_49 = arith.constant 1 : i32
    scf.for %scan3A_180 = %scan3A_46 to %scan3A_48 step %scan3A_49  : i32 {
      %get3A = arith.index_cast %scan3A_180 : i32 to index
      %get3A_181 = arith.constant 0 : index
      %get3A_182 = tpu.vector_load %arg8[%get3A, %get3A_181] {strides = array<i32>} : memref<512x32xf32, #tpu.memory_space<vmem>>, vector<16xf32>,
      %get3A_183 = arith.index_cast %scan3A_180 : i32 to index
      %get3A_184 = arith.constant 0 : index
      %get3A_185 = tpu.vector_load %arg10[%get3A_183, %get3A_184] {strides = array<i32>} : memref<512x32xf32, #tpu.memory_space<vmem>>, vector<16xf32>,
      %add3A_186 = arith.addf %get3A_182, %get3A_185 : vector<16xf32>
      %swap3A = arith.index_cast %scan3A_180 : i32 to index
      %swap3A_187 = arith.constant 0 : index
      %swap3A_188 = tpu.vector_load %arg8[%swap3A, %swap3A_187] {strides = array<i32>} : memref<512x32xf32, #tpu.memory_space<vmem>>, vector<16xf32>,
      tpu.vector_store %arg8[%swap3A, %swap3A_187], %add3A_186 {strides = array<i32>} : memref<512x32xf32, #tpu.memory_space<vmem>>, vector<16xf32>,
      %get3A_189 = arith.index_cast %scan3A_180 : i32 to index
      %get3A_190 = arith.constant 16 : index
      %get3A_191 = tpu.vector_load %arg8[%get3A_189, %get3A_190] {strides = array<i32>} : memref<512x32xf32, #tpu.memory_space<vmem>>, vector<16xf32>,
      %get3A_192 = arith.index_cast %scan3A_180 : i32 to index
      %get3A_193 = arith.constant 16 : index
      %get3A_194 = tpu.vector_load %arg10[%get3A_192, %get3A_193] {strides = array<i32>} : memref<512x32xf32, #tpu.memory_space<vmem>>, vector<16xf32>,
      %add3A_195 = arith.addf %get3A_191, %get3A_194 : vector<16xf32>
      %swap3A_196 = arith.index_cast %scan3A_180 : i32 to index
      %swap3A_197 = arith.constant 16 : index
      %swap3A_198 = tpu.vector_load %arg8[%swap3A_196, %swap3A_197] {strides = array<i32>} : memref<512x32xf32, #tpu.memory_space<vmem>>, vector<16xf32>,
      tpu.vector_store %arg8[%swap3A_196, %swap3A_197], %add3A_195 {strides = array<i32>} : memref<512x32xf32, #tpu.memory_space<vmem>>, vector<16xf32>,
    }
    %scan3A_50 = arith.constant 512 : i32
    %dma_start3A_51 = arith.constant 0 : i32
    %dma_start3A_52 = arith.constant 0 : i32
    %dma_start3A_53 = tpu.memref_slice %arg3[%dma_start3A_51, %dma_start3A_52] : memref<50000x32xf32, #tpu.memory_space<hbm>> -> memref<50000x32xf32, #tpu.memory_space<hbm>>
    tpu.enqueue_indirect_dma source(%dma_start3A_53 : memref<50000x32xf32, #tpu.memory_space<hbm>>) target(%arg10 : memref<512x32xf32, #tpu.memory_space<vmem>>) offsets(%arg16 : memref<512xi32, #tpu.memory_space<vmem>>) semaphore(%arg6 : memref<!tpu.dma_semaphore, #tpu.memory_space<semaphore_mem>>)
    %dma_wait3A_54 = arith.constant 0 : i32
    %dma_wait3A_55 = arith.constant 0 : i32
    %dma_wait3A_56 = tpu.memref_slice %arg3[%dma_wait3A_54, %dma_wait3A_55] : memref<50000x32xf32, #tpu.memory_space<hbm>> -> memref<50000x32xf32, #tpu.memory_space<hbm>>
    tpu.wait_indirect_dma semaphore(%arg5 : memref<!tpu.dma_semaphore, #tpu.memory_space<semaphore_mem>>) src(%dma_wait3A_56 : memref<50000x32xf32, #tpu.memory_space<hbm>>) dst(%arg9 : memref<512x32xf32, #tpu.memory_space<vmem>>)
    %scan3A_57 = arith.constant 0 : i32
    %scan3A_58 = arith.constant 0 : i32
    %scan3A_59 = arith.constant 512 : i32
    %scan3A_60 = arith.addi %scan3A_58, %scan3A_59 : i32
    %scan3A_61 = arith.constant 1 : i32
    scf.for %scan3A_180 = %scan3A_58 to %scan3A_60 step %scan3A_61  : i32 {
      %get3A = arith.index_cast %scan3A_180 : i32 to index
      %get3A_181 = arith.constant 0 : index
      %get3A_182 = tpu.vector_load %arg8[%get3A, %get3A_181] {strides = array<i32>} : memref<512x32xf32, #tpu.memory_space<vmem>>, vector<16xf32>,
      %get3A_183 = arith.index_cast %scan3A_180 : i32 to index
      %get3A_184 = arith.constant 0 : index
      %get3A_185 = tpu.vector_load %arg9[%get3A_183, %get3A_184] {strides = array<i32>} : memref<512x32xf32, #tpu.memory_space<vmem>>, vector<16xf32>,
      %add3A_186 = arith.addf %get3A_182, %get3A_185 : vector<16xf32>
      %swap3A = arith.index_cast %scan3A_180 : i32 to index
      %swap3A_187 = arith.constant 0 : index
      %swap3A_188 = tpu.vector_load %arg8[%swap3A, %swap3A_187] {strides = array<i32>} : memref<512x32xf32, #tpu.memory_space<vmem>>, vector<16xf32>,
      tpu.vector_store %arg8[%swap3A, %swap3A_187], %add3A_186 {strides = array<i32>} : memref<512x32xf32, #tpu.memory_space<vmem>>, vector<16xf32>,
      %get3A_189 = arith.index_cast %scan3A_180 : i32 to index
      %get3A_190 = arith.constant 16 : index
      %get3A_191 = tpu.vector_load %arg8[%get3A_189, %get3A_190] {strides = array<i32>} : memref<512x32xf32, #tpu.memory_space<vmem>>, vector<16xf32>,
      %get3A_192 = arith.index_cast %scan3A_180 : i32 to index
      %get3A_193 = arith.constant 16 : index
      %get3A_194 = tpu.vector_load %arg9[%get3A_192, %get3A_193] {strides = array<i32>} : memref<512x32xf32, #tpu.memory_space<vmem>>, vector<16xf32>,
      %add3A_195 = arith.addf %get3A_191, %get3A_194 : vector<16xf32>
      %swap3A_196 = arith.index_cast %scan3A_180 : i32 to index
      %swap3A_197 = arith.constant 16 : index
      %swap3A_198 = tpu.vector_load %arg8[%swap3A_196, %swap3A_197] {strides = array<i32>} : memref<512x32xf32, #tpu.memory_space<vmem>>, vector<16xf32>,
      tpu.vector_store %arg8[%swap3A_196, %swap3A_197], %add3A_195 {strides = array<i32>} : memref<512x32xf32, #tpu.memory_space<vmem>>, vector<16xf32>,
    }
    %scan3A_62 = arith.constant 512 : i32
    %dma_start3A_63 = arith.constant 0 : i32
    %dma_start3A_64 = arith.constant 0 : i32
    %dma_start3A_65 = tpu.memref_slice %arg3[%dma_start3A_63, %dma_start3A_64] : memref<50000x32xf32, #tpu.memory_space<hbm>> -> memref<50000x32xf32, #tpu.memory_space<hbm>>
    tpu.enqueue_indirect_dma source(%dma_start3A_65 : memref<50000x32xf32, #tpu.memory_space<hbm>>) target(%arg9 : memref<512x32xf32, #tpu.memory_space<vmem>>) offsets(%arg17 : memref<512xi32, #tpu.memory_space<vmem>>) semaphore(%arg5 : memref<!tpu.dma_semaphore, #tpu.memory_space<semaphore_mem>>)
    %dma_wait3A_66 = arith.constant 0 : i32
    %dma_wait3A_67 = arith.constant 0 : i32
    %dma_wait3A_68 = tpu.memref_slice %arg3[%dma_wait3A_66, %dma_wait3A_67] : memref<50000x32xf32, #tpu.memory_space<hbm>> -> memref<50000x32xf32, #tpu.memory_space<hbm>>
    tpu.wait_indirect_dma semaphore(%arg6 : memref<!tpu.dma_semaphore, #tpu.memory_space<semaphore_mem>>) src(%dma_wait3A_68 : memref<50000x32xf32, #tpu.memory_space<hbm>>) dst(%arg10 : memref<512x32xf32, #tpu.memory_space<vmem>>)
    %scan3A_69 = arith.constant 0 : i32
    %scan3A_70 = arith.constant 0 : i32
    %scan3A_71 = arith.constant 512 : i32
    %scan3A_72 = arith.addi %scan3A_70, %scan3A_71 : i32
    %scan3A_73 = arith.constant 1 : i32
    scf.for %scan3A_180 = %scan3A_70 to %scan3A_72 step %scan3A_73  : i32 {
      %get3A = arith.index_cast %scan3A_180 : i32 to index
      %get3A_181 = arith.constant 0 : index
      %get3A_182 = tpu.vector_load %arg8[%get3A, %get3A_181] {strides = array<i32>} : memref<512x32xf32, #tpu.memory_space<vmem>>, vector<16xf32>,
      %get3A_183 = arith.index_cast %scan3A_180 : i32 to index
      %get3A_184 = arith.constant 0 : index
      %get3A_185 = tpu.vector_load %arg10[%get3A_183, %get3A_184] {strides = array<i32>} : memref<512x32xf32, #tpu.memory_space<vmem>>, vector<16xf32>,
      %add3A_186 = arith.addf %get3A_182, %get3A_185 : vector<16xf32>
      %swap3A = arith.index_cast %scan3A_180 : i32 to index
      %swap3A_187 = arith.constant 0 : index
      %swap3A_188 = tpu.vector_load %arg8[%swap3A, %swap3A_187] {strides = array<i32>} : memref<512x32xf32, #tpu.memory_space<vmem>>, vector<16xf32>,
      tpu.vector_store %arg8[%swap3A, %swap3A_187], %add3A_186 {strides = array<i32>} : memref<512x32xf32, #tpu.memory_space<vmem>>, vector<16xf32>,
      %get3A_189 = arith.index_cast %scan3A_180 : i32 to index
      %get3A_190 = arith.constant 16 : index
      %get3A_191 = tpu.vector_load %arg8[%get3A_189, %get3A_190] {strides = array<i32>} : memref<512x32xf32, #tpu.memory_space<vmem>>, vector<16xf32>,
      %get3A_192 = arith.index_cast %scan3A_180 : i32 to index
      %get3A_193 = arith.constant 16 : index
      %get3A_194 = tpu.vector_load %arg10[%get3A_192, %get3A_193] {strides = array<i32>} : memref<512x32xf32, #tpu.memory_space<vmem>>, vector<16xf32>,
      %add3A_195 = arith.addf %get3A_191, %get3A_194 : vector<16xf32>
      %swap3A_196 = arith.index_cast %scan3A_180 : i32 to index
      %swap3A_197 = arith.constant 16 : index
      %swap3A_198 = tpu.vector_load %arg8[%swap3A_196, %swap3A_197] {strides = array<i32>} : memref<512x32xf32, #tpu.memory_space<vmem>>, vector<16xf32>,
      tpu.vector_store %arg8[%swap3A_196, %swap3A_197], %add3A_195 {strides = array<i32>} : memref<512x32xf32, #tpu.memory_space<vmem>>, vector<16xf32>,
    }
    %scan3A_74 = arith.constant 512 : i32
    %dma_start3A_75 = arith.constant 0 : i32
    %dma_start3A_76 = arith.constant 0 : i32
    %dma_start3A_77 = tpu.memref_slice %arg3[%dma_start3A_75, %dma_start3A_76] : memref<50000x32xf32, #tpu.memory_space<hbm>> -> memref<50000x32xf32, #tpu.memory_space<hbm>>
    tpu.enqueue_indirect_dma source(%dma_start3A_77 : memref<50000x32xf32, #tpu.memory_space<hbm>>) target(%arg10 : memref<512x32xf32, #tpu.memory_space<vmem>>) offsets(%arg18 : memref<512xi32, #tpu.memory_space<vmem>>) semaphore(%arg6 : memref<!tpu.dma_semaphore, #tpu.memory_space<semaphore_mem>>)
    %dma_wait3A_78 = arith.constant 0 : i32
    %dma_wait3A_79 = arith.constant 0 : i32
    %dma_wait3A_80 = tpu.memref_slice %arg3[%dma_wait3A_78, %dma_wait3A_79] : memref<50000x32xf32, #tpu.memory_space<hbm>> -> memref<50000x32xf32, #tpu.memory_space<hbm>>
    tpu.wait_indirect_dma semaphore(%arg5 : memref<!tpu.dma_semaphore, #tpu.memory_space<semaphore_mem>>) src(%dma_wait3A_80 : memref<50000x32xf32, #tpu.memory_space<hbm>>) dst(%arg9 : memref<512x32xf32, #tpu.memory_space<vmem>>)
    %scan3A_81 = arith.constant 0 : i32
    %scan3A_82 = arith.constant 0 : i32
    %scan3A_83 = arith.constant 512 : i32
    %scan3A_84 = arith.addi %scan3A_82, %scan3A_83 : i32
    %scan3A_85 = arith.constant 1 : i32
    scf.for %scan3A_180 = %scan3A_82 to %scan3A_84 step %scan3A_85  : i32 {
      %get3A = arith.index_cast %scan3A_180 : i32 to index
      %get3A_181 = arith.constant 0 : index
      %get3A_182 = tpu.vector_load %arg8[%get3A, %get3A_181] {strides = array<i32>} : memref<512x32xf32, #tpu.memory_space<vmem>>, vector<16xf32>,
      %get3A_183 = arith.index_cast %scan3A_180 : i32 to index
      %get3A_184 = arith.constant 0 : index
      %get3A_185 = tpu.vector_load %arg9[%get3A_183, %get3A_184] {strides = array<i32>} : memref<512x32xf32, #tpu.memory_space<vmem>>, vector<16xf32>,
      %add3A_186 = arith.addf %get3A_182, %get3A_185 : vector<16xf32>
      %swap3A = arith.index_cast %scan3A_180 : i32 to index
      %swap3A_187 = arith.constant 0 : index
      %swap3A_188 = tpu.vector_load %arg8[%swap3A, %swap3A_187] {strides = array<i32>} : memref<512x32xf32, #tpu.memory_space<vmem>>, vector<16xf32>,
      tpu.vector_store %arg8[%swap3A, %swap3A_187], %add3A_186 {strides = array<i32>} : memref<512x32xf32, #tpu.memory_space<vmem>>, vector<16xf32>,
      %get3A_189 = arith.index_cast %scan3A_180 : i32 to index
      %get3A_190 = arith.constant 16 : index
      %get3A_191 = tpu.vector_load %arg8[%get3A_189, %get3A_190] {strides = array<i32>} : memref<512x32xf32, #tpu.memory_space<vmem>>, vector<16xf32>,
      %get3A_192 = arith.index_cast %scan3A_180 : i32 to index
      %get3A_193 = arith.constant 16 : index
      %get3A_194 = tpu.vector_load %arg9[%get3A_192, %get3A_193] {strides = array<i32>} : memref<512x32xf32, #tpu.memory_space<vmem>>, vector<16xf32>,
      %add3A_195 = arith.addf %get3A_191, %get3A_194 : vector<16xf32>
      %swap3A_196 = arith.index_cast %scan3A_180 : i32 to index
      %swap3A_197 = arith.constant 16 : index
      %swap3A_198 = tpu.vector_load %arg8[%swap3A_196, %swap3A_197] {strides = array<i32>} : memref<512x32xf32, #tpu.memory_space<vmem>>, vector<16xf32>,
      tpu.vector_store %arg8[%swap3A_196, %swap3A_197], %add3A_195 {strides = array<i32>} : memref<512x32xf32, #tpu.memory_space<vmem>>, vector<16xf32>,
    }
    %scan3A_86 = arith.constant 512 : i32
    %dma_start3A_87 = arith.constant 0 : i32
    %dma_start3A_88 = arith.constant 0 : i32
    %dma_start3A_89 = tpu.memref_slice %arg3[%dma_start3A_87, %dma_start3A_88] : memref<50000x32xf32, #tpu.memory_space<hbm>> -> memref<50000x32xf32, #tpu.memory_space<hbm>>
    tpu.enqueue_indirect_dma source(%dma_start3A_89 : memref<50000x32xf32, #tpu.memory_space<hbm>>) target(%arg9 : memref<512x32xf32, #tpu.memory_space<vmem>>) offsets(%arg19 : memref<512xi32, #tpu.memory_space<vmem>>) semaphore(%arg5 : memref<!tpu.dma_semaphore, #tpu.memory_space<semaphore_mem>>)
    %dma_wait3A_90 = arith.constant 0 : i32
    %dma_wait3A_91 = arith.constant 0 : i32
    %dma_wait3A_92 = tpu.memref_slice %arg3[%dma_wait3A_90, %dma_wait3A_91] : memref<50000x32xf32, #tpu.memory_space<hbm>> -> memref<50000x32xf32, #tpu.memory_space<hbm>>
    tpu.wait_indirect_dma semaphore(%arg6 : memref<!tpu.dma_semaphore, #tpu.memory_space<semaphore_mem>>) src(%dma_wait3A_92 : memref<50000x32xf32, #tpu.memory_space<hbm>>) dst(%arg10 : memref<512x32xf32, #tpu.memory_space<vmem>>)
    %scan3A_93 = arith.constant 0 : i32
    %scan3A_94 = arith.constant 0 : i32
    %scan3A_95 = arith.constant 512 : i32
    %scan3A_96 = arith.addi %scan3A_94, %scan3A_95 : i32
    %scan3A_97 = arith.constant 1 : i32
    scf.for %scan3A_180 = %scan3A_94 to %scan3A_96 step %scan3A_97  : i32 {
      %get3A = arith.index_cast %scan3A_180 : i32 to index
      %get3A_181 = arith.constant 0 : index
      %get3A_182 = tpu.vector_load %arg8[%get3A, %get3A_181] {strides = array<i32>} : memref<512x32xf32, #tpu.memory_space<vmem>>, vector<16xf32>,
      %get3A_183 = arith.index_cast %scan3A_180 : i32 to index
      %get3A_184 = arith.constant 0 : index
      %get3A_185 = tpu.vector_load %arg10[%get3A_183, %get3A_184] {strides = array<i32>} : memref<512x32xf32, #tpu.memory_space<vmem>>, vector<16xf32>,
      %add3A_186 = arith.addf %get3A_182, %get3A_185 : vector<16xf32>
      %swap3A = arith.index_cast %scan3A_180 : i32 to index
      %swap3A_187 = arith.constant 0 : index
      %swap3A_188 = tpu.vector_load %arg8[%swap3A, %swap3A_187] {strides = array<i32>} : memref<512x32xf32, #tpu.memory_space<vmem>>, vector<16xf32>,
      tpu.vector_store %arg8[%swap3A, %swap3A_187], %add3A_186 {strides = array<i32>} : memref<512x32xf32, #tpu.memory_space<vmem>>, vector<16xf32>,
      %get3A_189 = arith.index_cast %scan3A_180 : i32 to index
      %get3A_190 = arith.constant 16 : index
      %get3A_191 = tpu.vector_load %arg8[%get3A_189, %get3A_190] {strides = array<i32>} : memref<512x32xf32, #tpu.memory_space<vmem>>, vector<16xf32>,
      %get3A_192 = arith.index_cast %scan3A_180 : i32 to index
      %get3A_193 = arith.constant 16 : index
      %get3A_194 = tpu.vector_load %arg10[%get3A_192, %get3A_193] {strides = array<i32>} : memref<512x32xf32, #tpu.memory_space<vmem>>, vector<16xf32>,
      %add3A_195 = arith.addf %get3A_191, %get3A_194 : vector<16xf32>
      %swap3A_196 = arith.index_cast %scan3A_180 : i32 to index
      %swap3A_197 = arith.constant 16 : index
      %swap3A_198 = tpu.vector_load %arg8[%swap3A_196, %swap3A_197] {strides = array<i32>} : memref<512x32xf32, #tpu.memory_space<vmem>>, vector<16xf32>,
      tpu.vector_store %arg8[%swap3A_196, %swap3A_197], %add3A_195 {strides = array<i32>} : memref<512x32xf32, #tpu.memory_space<vmem>>, vector<16xf32>,
    }
    %scan3A_98 = arith.constant 512 : i32
    %dma_start3A_99 = arith.constant 0 : i32
    %dma_start3A_100 = arith.constant 0 : i32
    %dma_start3A_101 = tpu.memref_slice %arg3[%dma_start3A_99, %dma_start3A_100] : memref<50000x32xf32, #tpu.memory_space<hbm>> -> memref<50000x32xf32, #tpu.memory_space<hbm>>
    tpu.enqueue_indirect_dma source(%dma_start3A_101 : memref<50000x32xf32, #tpu.memory_space<hbm>>) target(%arg10 : memref<512x32xf32, #tpu.memory_space<vmem>>) offsets(%arg20 : memref<512xi32, #tpu.memory_space<vmem>>) semaphore(%arg6 : memref<!tpu.dma_semaphore, #tpu.memory_space<semaphore_mem>>)
    %dma_wait3A_102 = arith.constant 0 : i32
    %dma_wait3A_103 = arith.constant 0 : i32
    %dma_wait3A_104 = tpu.memref_slice %arg3[%dma_wait3A_102, %dma_wait3A_103] : memref<50000x32xf32, #tpu.memory_space<hbm>> -> memref<50000x32xf32, #tpu.memory_space<hbm>>
    tpu.wait_indirect_dma semaphore(%arg5 : memref<!tpu.dma_semaphore, #tpu.memory_space<semaphore_mem>>) src(%dma_wait3A_104 : memref<50000x32xf32, #tpu.memory_space<hbm>>) dst(%arg9 : memref<512x32xf32, #tpu.memory_space<vmem>>)
    %scan3A_105 = arith.constant 0 : i32
    %scan3A_106 = arith.constant 0 : i32
    %scan3A_107 = arith.constant 512 : i32
    %scan3A_108 = arith.addi %scan3A_106, %scan3A_107 : i32
    %scan3A_109 = arith.constant 1 : i32
    scf.for %scan3A_180 = %scan3A_106 to %scan3A_108 step %scan3A_109  : i32 {
      %get3A = arith.index_cast %scan3A_180 : i32 to index
      %get3A_181 = arith.constant 0 : index
      %get3A_182 = tpu.vector_load %arg8[%get3A, %get3A_181] {strides = array<i32>} : memref<512x32xf32, #tpu.memory_space<vmem>>, vector<16xf32>,
      %get3A_183 = arith.index_cast %scan3A_180 : i32 to index
      %get3A_184 = arith.constant 0 : index
      %get3A_185 = tpu.vector_load %arg9[%get3A_183, %get3A_184] {strides = array<i32>} : memref<512x32xf32, #tpu.memory_space<vmem>>, vector<16xf32>,
      %add3A_186 = arith.addf %get3A_182, %get3A_185 : vector<16xf32>
      %swap3A = arith.index_cast %scan3A_180 : i32 to index
      %swap3A_187 = arith.constant 0 : index
      %swap3A_188 = tpu.vector_load %arg8[%swap3A, %swap3A_187] {strides = array<i32>} : memref<512x32xf32, #tpu.memory_space<vmem>>, vector<16xf32>,
      tpu.vector_store %arg8[%swap3A, %swap3A_187], %add3A_186 {strides = array<i32>} : memref<512x32xf32, #tpu.memory_space<vmem>>, vector<16xf32>,
      %get3A_189 = arith.index_cast %scan3A_180 : i32 to index
      %get3A_190 = arith.constant 16 : index
      %get3A_191 = tpu.vector_load %arg8[%get3A_189, %get3A_190] {strides = array<i32>} : memref<512x32xf32, #tpu.memory_space<vmem>>, vector<16xf32>,
      %get3A_192 = arith.index_cast %scan3A_180 : i32 to index
      %get3A_193 = arith.constant 16 : index
      %get3A_194 = tpu.vector_load %arg9[%get3A_192, %get3A_193] {strides = array<i32>} : memref<512x32xf32, #tpu.memory_space<vmem>>, vector<16xf32>,
      %add3A_195 = arith.addf %get3A_191, %get3A_194 : vector<16xf32>
      %swap3A_196 = arith.index_cast %scan3A_180 : i32 to index
      %swap3A_197 = arith.constant 16 : index
      %swap3A_198 = tpu.vector_load %arg8[%swap3A_196, %swap3A_197] {strides = array<i32>} : memref<512x32xf32, #tpu.memory_space<vmem>>, vector<16xf32>,
      tpu.vector_store %arg8[%swap3A_196, %swap3A_197], %add3A_195 {strides = array<i32>} : memref<512x32xf32, #tpu.memory_space<vmem>>, vector<16xf32>,
    }
    %scan3A_110 = arith.constant 512 : i32
    %dma_start3A_111 = arith.constant 0 : i32
    %dma_start3A_112 = arith.constant 0 : i32
    %dma_start3A_113 = tpu.memref_slice %arg3[%dma_start3A_111, %dma_start3A_112] : memref<50000x32xf32, #tpu.memory_space<hbm>> -> memref<50000x32xf32, #tpu.memory_space<hbm>>
    tpu.enqueue_indirect_dma source(%dma_start3A_113 : memref<50000x32xf32, #tpu.memory_space<hbm>>) target(%arg9 : memref<512x32xf32, #tpu.memory_space<vmem>>) offsets(%arg21 : memref<512xi32, #tpu.memory_space<vmem>>) semaphore(%arg5 : memref<!tpu.dma_semaphore, #tpu.memory_space<semaphore_mem>>)
    %dma_wait3A_114 = arith.constant 0 : i32
    %dma_wait3A_115 = arith.constant 0 : i32
    %dma_wait3A_116 = tpu.memref_slice %arg3[%dma_wait3A_114, %dma_wait3A_115] : memref<50000x32xf32, #tpu.memory_space<hbm>> -> memref<50000x32xf32, #tpu.memory_space<hbm>>
    tpu.wait_indirect_dma semaphore(%arg6 : memref<!tpu.dma_semaphore, #tpu.memory_space<semaphore_mem>>) src(%dma_wait3A_116 : memref<50000x32xf32, #tpu.memory_space<hbm>>) dst(%arg10 : memref<512x32xf32, #tpu.memory_space<vmem>>)
    %scan3A_117 = arith.constant 0 : i32
    %scan3A_118 = arith.constant 0 : i32
    %scan3A_119 = arith.constant 512 : i32
    %scan3A_120 = arith.addi %scan3A_118, %scan3A_119 : i32
    %scan3A_121 = arith.constant 1 : i32
    scf.for %scan3A_180 = %scan3A_118 to %scan3A_120 step %scan3A_121  : i32 {
      %get3A = arith.index_cast %scan3A_180 : i32 to index
      %get3A_181 = arith.constant 0 : index
      %get3A_182 = tpu.vector_load %arg8[%get3A, %get3A_181] {strides = array<i32>} : memref<512x32xf32, #tpu.memory_space<vmem>>, vector<16xf32>,
      %get3A_183 = arith.index_cast %scan3A_180 : i32 to index
      %get3A_184 = arith.constant 0 : index
      %get3A_185 = tpu.vector_load %arg10[%get3A_183, %get3A_184] {strides = array<i32>} : memref<512x32xf32, #tpu.memory_space<vmem>>, vector<16xf32>,
      %add3A_186 = arith.addf %get3A_182, %get3A_185 : vector<16xf32>
      %swap3A = arith.index_cast %scan3A_180 : i32 to index
      %swap3A_187 = arith.constant 0 : index
      %swap3A_188 = tpu.vector_load %arg8[%swap3A, %swap3A_187] {strides = array<i32>} : memref<512x32xf32, #tpu.memory_space<vmem>>, vector<16xf32>,
      tpu.vector_store %arg8[%swap3A, %swap3A_187], %add3A_186 {strides = array<i32>} : memref<512x32xf32, #tpu.memory_space<vmem>>, vector<16xf32>,
      %get3A_189 = arith.index_cast %scan3A_180 : i32 to index
      %get3A_190 = arith.constant 16 : index
      %get3A_191 = tpu.vector_load %arg8[%get3A_189, %get3A_190] {strides = array<i32>} : memref<512x32xf32, #tpu.memory_space<vmem>>, vector<16xf32>,
      %get3A_192 = arith.index_cast %scan3A_180 : i32 to index
      %get3A_193 = arith.constant 16 : index
      %get3A_194 = tpu.vector_load %arg10[%get3A_192, %get3A_193] {strides = array<i32>} : memref<512x32xf32, #tpu.memory_space<vmem>>, vector<16xf32>,
      %add3A_195 = arith.addf %get3A_191, %get3A_194 : vector<16xf32>
      %swap3A_196 = arith.index_cast %scan3A_180 : i32 to index
      %swap3A_197 = arith.constant 16 : index
      %swap3A_198 = tpu.vector_load %arg8[%swap3A_196, %swap3A_197] {strides = array<i32>} : memref<512x32xf32, #tpu.memory_space<vmem>>, vector<16xf32>,
      tpu.vector_store %arg8[%swap3A_196, %swap3A_197], %add3A_195 {strides = array<i32>} : memref<512x32xf32, #tpu.memory_space<vmem>>, vector<16xf32>,
    }
    %scan3A_122 = arith.constant 512 : i32
    %dma_start3A_123 = arith.constant 0 : i32
    %dma_start3A_124 = arith.constant 0 : i32
    %dma_start3A_125 = tpu.memref_slice %arg3[%dma_start3A_123, %dma_start3A_124] : memref<50000x32xf32, #tpu.memory_space<hbm>> -> memref<50000x32xf32, #tpu.memory_space<hbm>>
    tpu.enqueue_indirect_dma source(%dma_start3A_125 : memref<50000x32xf32, #tpu.memory_space<hbm>>) target(%arg10 : memref<512x32xf32, #tpu.memory_space<vmem>>) offsets(%arg22 : memref<512xi32, #tpu.memory_space<vmem>>) semaphore(%arg6 : memref<!tpu.dma_semaphore, #tpu.memory_space<semaphore_mem>>)
    %dma_wait3A_126 = arith.constant 0 : i32
    %dma_wait3A_127 = arith.constant 0 : i32
    %dma_wait3A_128 = tpu.memref_slice %arg3[%dma_wait3A_126, %dma_wait3A_127] : memref<50000x32xf32, #tpu.memory_space<hbm>> -> memref<50000x32xf32, #tpu.memory_space<hbm>>
    tpu.wait_indirect_dma semaphore(%arg5 : memref<!tpu.dma_semaphore, #tpu.memory_space<semaphore_mem>>) src(%dma_wait3A_128 : memref<50000x32xf32, #tpu.memory_space<hbm>>) dst(%arg9 : memref<512x32xf32, #tpu.memory_space<vmem>>)
    %scan3A_129 = arith.constant 0 : i32
    %scan3A_130 = arith.constant 0 : i32
    %scan3A_131 = arith.constant 512 : i32
    %scan3A_132 = arith.addi %scan3A_130, %scan3A_131 : i32
    %scan3A_133 = arith.constant 1 : i32
    scf.for %scan3A_180 = %scan3A_130 to %scan3A_132 step %scan3A_133  : i32 {
      %get3A = arith.index_cast %scan3A_180 : i32 to index
      %get3A_181 = arith.constant 0 : index
      %get3A_182 = tpu.vector_load %arg8[%get3A, %get3A_181] {strides = array<i32>} : memref<512x32xf32, #tpu.memory_space<vmem>>, vector<16xf32>,
      %get3A_183 = arith.index_cast %scan3A_180 : i32 to index
      %get3A_184 = arith.constant 0 : index
      %get3A_185 = tpu.vector_load %arg9[%get3A_183, %get3A_184] {strides = array<i32>} : memref<512x32xf32, #tpu.memory_space<vmem>>, vector<16xf32>,
      %add3A_186 = arith.addf %get3A_182, %get3A_185 : vector<16xf32>
      %swap3A = arith.index_cast %scan3A_180 : i32 to index
      %swap3A_187 = arith.constant 0 : index
      %swap3A_188 = tpu.vector_load %arg8[%swap3A, %swap3A_187] {strides = array<i32>} : memref<512x32xf32, #tpu.memory_space<vmem>>, vector<16xf32>,
      tpu.vector_store %arg8[%swap3A, %swap3A_187], %add3A_186 {strides = array<i32>} : memref<512x32xf32, #tpu.memory_space<vmem>>, vector<16xf32>,
      %get3A_189 = arith.index_cast %scan3A_180 : i32 to index
      %get3A_190 = arith.constant 16 : index
      %get3A_191 = tpu.vector_load %arg8[%get3A_189, %get3A_190] {strides = array<i32>} : memref<512x32xf32, #tpu.memory_space<vmem>>, vector<16xf32>,
      %get3A_192 = arith.index_cast %scan3A_180 : i32 to index
      %get3A_193 = arith.constant 16 : index
      %get3A_194 = tpu.vector_load %arg9[%get3A_192, %get3A_193] {strides = array<i32>} : memref<512x32xf32, #tpu.memory_space<vmem>>, vector<16xf32>,
      %add3A_195 = arith.addf %get3A_191, %get3A_194 : vector<16xf32>
      %swap3A_196 = arith.index_cast %scan3A_180 : i32 to index
      %swap3A_197 = arith.constant 16 : index
      %swap3A_198 = tpu.vector_load %arg8[%swap3A_196, %swap3A_197] {strides = array<i32>} : memref<512x32xf32, #tpu.memory_space<vmem>>, vector<16xf32>,
      tpu.vector_store %arg8[%swap3A_196, %swap3A_197], %add3A_195 {strides = array<i32>} : memref<512x32xf32, #tpu.memory_space<vmem>>, vector<16xf32>,
    }
    %scan3A_134 = arith.constant 512 : i32
    %dma_start3A_135 = arith.constant 0 : i32
    %dma_start3A_136 = arith.constant 0 : i32
    %dma_start3A_137 = tpu.memref_slice %arg3[%dma_start3A_135, %dma_start3A_136] : memref<50000x32xf32, #tpu.memory_space<hbm>> -> memref<50000x32xf32, #tpu.memory_space<hbm>>
    tpu.enqueue_indirect_dma source(%dma_start3A_137 : memref<50000x32xf32, #tpu.memory_space<hbm>>) target(%arg9 : memref<512x32xf32, #tpu.memory_space<vmem>>) offsets(%arg23 : memref<512xi32, #tpu.memory_space<vmem>>) semaphore(%arg5 : memref<!tpu.dma_semaphore, #tpu.memory_space<semaphore_mem>>)
    %dma_wait3A_138 = arith.constant 0 : i32
    %dma_wait3A_139 = arith.constant 0 : i32
    %dma_wait3A_140 = tpu.memref_slice %arg3[%dma_wait3A_138, %dma_wait3A_139] : memref<50000x32xf32, #tpu.memory_space<hbm>> -> memref<50000x32xf32, #tpu.memory_space<hbm>>
    tpu.wait_indirect_dma semaphore(%arg6 : memref<!tpu.dma_semaphore, #tpu.memory_space<semaphore_mem>>) src(%dma_wait3A_140 : memref<50000x32xf32, #tpu.memory_space<hbm>>) dst(%arg10 : memref<512x32xf32, #tpu.memory_space<vmem>>)
    %scan3A_141 = arith.constant 0 : i32
    %scan3A_142 = arith.constant 0 : i32
    %scan3A_143 = arith.constant 512 : i32
    %scan3A_144 = arith.addi %scan3A_142, %scan3A_143 : i32
    %scan3A_145 = arith.constant 1 : i32
    scf.for %scan3A_180 = %scan3A_142 to %scan3A_144 step %scan3A_145  : i32 {
      %get3A = arith.index_cast %scan3A_180 : i32 to index
      %get3A_181 = arith.constant 0 : index
      %get3A_182 = tpu.vector_load %arg8[%get3A, %get3A_181] {strides = array<i32>} : memref<512x32xf32, #tpu.memory_space<vmem>>, vector<16xf32>,
      %get3A_183 = arith.index_cast %scan3A_180 : i32 to index
      %get3A_184 = arith.constant 0 : index
      %get3A_185 = tpu.vector_load %arg10[%get3A_183, %get3A_184] {strides = array<i32>} : memref<512x32xf32, #tpu.memory_space<vmem>>, vector<16xf32>,
      %add3A_186 = arith.addf %get3A_182, %get3A_185 : vector<16xf32>
      %swap3A = arith.index_cast %scan3A_180 : i32 to index
      %swap3A_187 = arith.constant 0 : index
      %swap3A_188 = tpu.vector_load %arg8[%swap3A, %swap3A_187] {strides = array<i32>} : memref<512x32xf32, #tpu.memory_space<vmem>>, vector<16xf32>,
      tpu.vector_store %arg8[%swap3A, %swap3A_187], %add3A_186 {strides = array<i32>} : memref<512x32xf32, #tpu.memory_space<vmem>>, vector<16xf32>,
      %get3A_189 = arith.index_cast %scan3A_180 : i32 to index
      %get3A_190 = arith.constant 16 : index
      %get3A_191 = tpu.vector_load %arg8[%get3A_189, %get3A_190] {strides = array<i32>} : memref<512x32xf32, #tpu.memory_space<vmem>>, vector<16xf32>,
      %get3A_192 = arith.index_cast %scan3A_180 : i32 to index
      %get3A_193 = arith.constant 16 : index
      %get3A_194 = tpu.vector_load %arg10[%get3A_192, %get3A_193] {strides = array<i32>} : memref<512x32xf32, #tpu.memory_space<vmem>>, vector<16xf32>,
      %add3A_195 = arith.addf %get3A_191, %get3A_194 : vector<16xf32>
      %swap3A_196 = arith.index_cast %scan3A_180 : i32 to index
      %swap3A_197 = arith.constant 16 : index
      %swap3A_198 = tpu.vector_load %arg8[%swap3A_196, %swap3A_197] {strides = array<i32>} : memref<512x32xf32, #tpu.memory_space<vmem>>, vector<16xf32>,
      tpu.vector_store %arg8[%swap3A_196, %swap3A_197], %add3A_195 {strides = array<i32>} : memref<512x32xf32, #tpu.memory_space<vmem>>, vector<16xf32>,
    }
    %scan3A_146 = arith.constant 512 : i32
    %dma_start3A_147 = arith.constant 0 : i32
    %dma_start3A_148 = arith.constant 0 : i32
    %dma_start3A_149 = tpu.memref_slice %arg3[%dma_start3A_147, %dma_start3A_148] : memref<50000x32xf32, #tpu.memory_space<hbm>> -> memref<50000x32xf32, #tpu.memory_space<hbm>>
    tpu.enqueue_indirect_dma source(%dma_start3A_149 : memref<50000x32xf32, #tpu.memory_space<hbm>>) target(%arg10 : memref<512x32xf32, #tpu.memory_space<vmem>>) offsets(%arg24 : memref<512xi32, #tpu.memory_space<vmem>>) semaphore(%arg6 : memref<!tpu.dma_semaphore, #tpu.memory_space<semaphore_mem>>)
    %dma_wait3A_150 = arith.constant 0 : i32
    %dma_wait3A_151 = arith.constant 0 : i32
    %dma_wait3A_152 = tpu.memref_slice %arg3[%dma_wait3A_150, %dma_wait3A_151] : memref<50000x32xf32, #tpu.memory_space<hbm>> -> memref<50000x32xf32, #tpu.memory_space<hbm>>
    tpu.wait_indirect_dma semaphore(%arg5 : memref<!tpu.dma_semaphore, #tpu.memory_space<semaphore_mem>>) src(%dma_wait3A_152 : memref<50000x32xf32, #tpu.memory_space<hbm>>) dst(%arg9 : memref<512x32xf32, #tpu.memory_space<vmem>>)
    %scan3A_153 = arith.constant 0 : i32
    %scan3A_154 = arith.constant 0 : i32
    %scan3A_155 = arith.constant 512 : i32
    %scan3A_156 = arith.addi %scan3A_154, %scan3A_155 : i32
    %scan3A_157 = arith.constant 1 : i32
    scf.for %scan3A_180 = %scan3A_154 to %scan3A_156 step %scan3A_157  : i32 {
      %get3A = arith.index_cast %scan3A_180 : i32 to index
      %get3A_181 = arith.constant 0 : index
      %get3A_182 = tpu.vector_load %arg8[%get3A, %get3A_181] {strides = array<i32>} : memref<512x32xf32, #tpu.memory_space<vmem>>, vector<16xf32>,
      %get3A_183 = arith.index_cast %scan3A_180 : i32 to index
      %get3A_184 = arith.constant 0 : index
      %get3A_185 = tpu.vector_load %arg9[%get3A_183, %get3A_184] {strides = array<i32>} : memref<512x32xf32, #tpu.memory_space<vmem>>, vector<16xf32>,
      %add3A_186 = arith.addf %get3A_182, %get3A_185 : vector<16xf32>
      %swap3A = arith.index_cast %scan3A_180 : i32 to index
      %swap3A_187 = arith.constant 0 : index
      %swap3A_188 = tpu.vector_load %arg8[%swap3A, %swap3A_187] {strides = array<i32>} : memref<512x32xf32, #tpu.memory_space<vmem>>, vector<16xf32>,
      tpu.vector_store %arg8[%swap3A, %swap3A_187], %add3A_186 {strides = array<i32>} : memref<512x32xf32, #tpu.memory_space<vmem>>, vector<16xf32>,
      %get3A_189 = arith.index_cast %scan3A_180 : i32 to index
      %get3A_190 = arith.constant 16 : index
      %get3A_191 = tpu.vector_load %arg8[%get3A_189, %get3A_190] {strides = array<i32>} : memref<512x32xf32, #tpu.memory_space<vmem>>, vector<16xf32>,
      %get3A_192 = arith.index_cast %scan3A_180 : i32 to index
      %get3A_193 = arith.constant 16 : index
      %get3A_194 = tpu.vector_load %arg9[%get3A_192, %get3A_193] {strides = array<i32>} : memref<512x32xf32, #tpu.memory_space<vmem>>, vector<16xf32>,
      %add3A_195 = arith.addf %get3A_191, %get3A_194 : vector<16xf32>
      %swap3A_196 = arith.index_cast %scan3A_180 : i32 to index
      %swap3A_197 = arith.constant 16 : index
      %swap3A_198 = tpu.vector_load %arg8[%swap3A_196, %swap3A_197] {strides = array<i32>} : memref<512x32xf32, #tpu.memory_space<vmem>>, vector<16xf32>,
      tpu.vector_store %arg8[%swap3A_196, %swap3A_197], %add3A_195 {strides = array<i32>} : memref<512x32xf32, #tpu.memory_space<vmem>>, vector<16xf32>,
    }
    %scan3A_158 = arith.constant 512 : i32
    %dma_start3A_159 = arith.constant 0 : i32
    %dma_start3A_160 = arith.constant 0 : i32
    %dma_start3A_161 = tpu.memref_slice %arg3[%dma_start3A_159, %dma_start3A_160] : memref<50000x32xf32, #tpu.memory_space<hbm>> -> memref<50000x32xf32, #tpu.memory_space<hbm>>
    tpu.enqueue_indirect_dma source(%dma_start3A_161 : memref<50000x32xf32, #tpu.memory_space<hbm>>) target(%arg9 : memref<512x32xf32, #tpu.memory_space<vmem>>) offsets(%arg25 : memref<512xi32, #tpu.memory_space<vmem>>) semaphore(%arg5 : memref<!tpu.dma_semaphore, #tpu.memory_space<semaphore_mem>>)
    %dma_wait3A_162 = arith.constant 0 : i32
    %dma_wait3A_163 = arith.constant 0 : i32
    %dma_wait3A_164 = tpu.memref_slice %arg3[%dma_wait3A_162, %dma_wait3A_163] : memref<50000x32xf32, #tpu.memory_space<hbm>> -> memref<50000x32xf32, #tpu.memory_space<hbm>>
    tpu.wait_indirect_dma semaphore(%arg6 : memref<!tpu.dma_semaphore, #tpu.memory_space<semaphore_mem>>) src(%dma_wait3A_164 : memref<50000x32xf32, #tpu.memory_space<hbm>>) dst(%arg10 : memref<512x32xf32, #tpu.memory_space<vmem>>)
    %scan3A_165 = arith.constant 0 : i32
    %scan3A_166 = arith.constant 0 : i32
    %scan3A_167 = arith.constant 512 : i32
    %scan3A_168 = arith.addi %scan3A_166, %scan3A_167 : i32
    %scan3A_169 = arith.constant 1 : i32
    scf.for %scan3A_180 = %scan3A_166 to %scan3A_168 step %scan3A_169  : i32 {
      %get3A = arith.index_cast %scan3A_180 : i32 to index
      %get3A_181 = arith.constant 0 : index
      %get3A_182 = tpu.vector_load %arg8[%get3A, %get3A_181] {strides = array<i32>} : memref<512x32xf32, #tpu.memory_space<vmem>>, vector<16xf32>,
      %get3A_183 = arith.index_cast %scan3A_180 : i32 to index
      %get3A_184 = arith.constant 0 : index
      %get3A_185 = tpu.vector_load %arg10[%get3A_183, %get3A_184] {strides = array<i32>} : memref<512x32xf32, #tpu.memory_space<vmem>>, vector<16xf32>,
      %add3A_186 = arith.addf %get3A_182, %get3A_185 : vector<16xf32>
      %swap3A = arith.index_cast %scan3A_180 : i32 to index
      %swap3A_187 = arith.constant 0 : index
      %swap3A_188 = tpu.vector_load %arg8[%swap3A, %swap3A_187] {strides = array<i32>} : memref<512x32xf32, #tpu.memory_space<vmem>>, vector<16xf32>,
      tpu.vector_store %arg8[%swap3A, %swap3A_187], %add3A_186 {strides = array<i32>} : memref<512x32xf32, #tpu.memory_space<vmem>>, vector<16xf32>,
      %get3A_189 = arith.index_cast %scan3A_180 : i32 to index
      %get3A_190 = arith.constant 16 : index
      %get3A_191 = tpu.vector_load %arg8[%get3A_189, %get3A_190] {strides = array<i32>} : memref<512x32xf32, #tpu.memory_space<vmem>>, vector<16xf32>,
      %get3A_192 = arith.index_cast %scan3A_180 : i32 to index
      %get3A_193 = arith.constant 16 : index
      %get3A_194 = tpu.vector_load %arg10[%get3A_192, %get3A_193] {strides = array<i32>} : memref<512x32xf32, #tpu.memory_space<vmem>>, vector<16xf32>,
      %add3A_195 = arith.addf %get3A_191, %get3A_194 : vector<16xf32>
      %swap3A_196 = arith.index_cast %scan3A_180 : i32 to index
      %swap3A_197 = arith.constant 16 : index
      %swap3A_198 = tpu.vector_load %arg8[%swap3A_196, %swap3A_197] {strides = array<i32>} : memref<512x32xf32, #tpu.memory_space<vmem>>, vector<16xf32>,
      tpu.vector_store %arg8[%swap3A_196, %swap3A_197], %add3A_195 {strides = array<i32>} : memref<512x32xf32, #tpu.memory_space<vmem>>, vector<16xf32>,
    }
    %scan3A_170 = arith.constant 512 : i32
    %dma_wait3A_171 = arith.constant 0 : i32
    %dma_wait3A_172 = arith.constant 0 : i32
    %dma_wait3A_173 = tpu.memref_slice %arg3[%dma_wait3A_171, %dma_wait3A_172] : memref<50000x32xf32, #tpu.memory_space<hbm>> -> memref<50000x32xf32, #tpu.memory_space<hbm>>
    tpu.wait_indirect_dma semaphore(%arg5 : memref<!tpu.dma_semaphore, #tpu.memory_space<semaphore_mem>>) src(%dma_wait3A_173 : memref<50000x32xf32, #tpu.memory_space<hbm>>) dst(%arg9 : memref<512x32xf32, #tpu.memory_space<vmem>>)
    %scan3A_174 = arith.constant 0 : i32
    %scan3A_175 = arith.constant 0 : i32
    %scan3A_176 = arith.constant 512 : i32
    %scan3A_177 = arith.addi %scan3A_175, %scan3A_176 : i32
    %scan3A_178 = arith.constant 1 : i32
    scf.for %scan3A_180 = %scan3A_175 to %scan3A_177 step %scan3A_178  : i32 {
      %get3A = arith.index_cast %scan3A_180 : i32 to index
      %get3A_181 = arith.constant 0 : index
      %get3A_182 = tpu.vector_load %arg8[%get3A, %get3A_181] {strides = array<i32>} : memref<512x32xf32, #tpu.memory_space<vmem>>, vector<16xf32>,
      %get3A_183 = arith.index_cast %scan3A_180 : i32 to index
      %get3A_184 = arith.constant 0 : index
      %get3A_185 = tpu.vector_load %arg9[%get3A_183, %get3A_184] {strides = array<i32>} : memref<512x32xf32, #tpu.memory_space<vmem>>, vector<16xf32>,
      %add3A_186 = arith.addf %get3A_182, %get3A_185 : vector<16xf32>
      %swap3A = arith.index_cast %scan3A_180 : i32 to index
      %swap3A_187 = arith.constant 0 : index
      %swap3A_188 = tpu.vector_load %arg8[%swap3A, %swap3A_187] {strides = array<i32>} : memref<512x32xf32, #tpu.memory_space<vmem>>, vector<16xf32>,
      tpu.vector_store %arg8[%swap3A, %swap3A_187], %add3A_186 {strides = array<i32>} : memref<512x32xf32, #tpu.memory_space<vmem>>, vector<16xf32>,
      %get3A_189 = arith.index_cast %scan3A_180 : i32 to index
      %get3A_190 = arith.constant 16 : index
      %get3A_191 = tpu.vector_load %arg8[%get3A_189, %get3A_190] {strides = array<i32>} : memref<512x32xf32, #tpu.memory_space<vmem>>, vector<16xf32>,
      %get3A_192 = arith.index_cast %scan3A_180 : i32 to index
      %get3A_193 = arith.constant 16 : index
      %get3A_194 = tpu.vector_load %arg9[%get3A_192, %get3A_193] {strides = array<i32>} : memref<512x32xf32, #tpu.memory_space<vmem>>, vector<16xf32>,
      %add3A_195 = arith.addf %get3A_191, %get3A_194 : vector<16xf32>
      %swap3A_196 = arith.index_cast %scan3A_180 : i32 to index
      %swap3A_197 = arith.constant 16 : index
      %swap3A_198 = tpu.vector_load %arg8[%swap3A_196, %swap3A_197] {strides = array<i32>} : memref<512x32xf32, #tpu.memory_space<vmem>>, vector<16xf32>,
      tpu.vector_store %arg8[%swap3A_196, %swap3A_197], %add3A_195 {strides = array<i32>} : memref<512x32xf32, #tpu.memory_space<vmem>>, vector<16xf32>,
    }
    %scan3A_179 = arith.constant 512 : i32
    "tpu.region"() ({
      %run_scoped3A = tpu.sem_alloc : memref<!tpu.dma_semaphore, #tpu.memory_space<semaphore_mem>>
      %dma_start3A_180 = arith.constant 0 : i32
      %dma_start3A_181 = tpu.memref_slice %arg4[%mul3A_2, %dma_start3A_180] : memref<16384x32xf32, #tpu.memory_space<hbm>> -> memref<512x32xf32, #tpu.memory_space<hbm>>
      %dma_start3A_182 = arith.constant 0 : i32
      %dma_start3A_183 = tpu.memref_slice %arg4[%mul3A_2, %dma_start3A_182] : memref<16384x32xf32, #tpu.memory_space<hbm>> -> memref<512x32xf32, #tpu.memory_space<hbm>>
      tpu.enqueue_dma source(%arg8 : memref<512x32xf32, #tpu.memory_space<vmem>>) target(%dma_start3A_183 : memref<512x32xf32, #tpu.memory_space<hbm>>) target_semaphore(%run_scoped3A : memref<!tpu.dma_semaphore, #tpu.memory_space<semaphore_mem>>)
      %dma_wait3A_184 = arith.constant 0 : i32
      %dma_wait3A_185 = tpu.memref_slice %arg4[%mul3A_2, %dma_wait3A_184] : memref<16384x32xf32, #tpu.memory_space<hbm>> -> memref<512x32xf32, #tpu.memory_space<hbm>>
      %dma_wait3A_186 = arith.constant 0 : i32
      %dma_wait3A_187 = tpu.memref_slice %arg4[%mul3A_2, %dma_wait3A_186] : memref<16384x32xf32, #tpu.memory_space<hbm>> -> memref<512x32xf32, #tpu.memory_space<hbm>>
      tpu.wait_dma2 semaphore(%run_scoped3A : memref<!tpu.dma_semaphore, #tpu.memory_space<semaphore_mem>>) src(%arg8 : memref<512x32xf32, #tpu.memory_space<vmem>>) dst(%dma_wait3A_187 : memref<512x32xf32, #tpu.memory_space<hbm>>)
      tpu.yield
    }) : () -> ()
    return
  }
}

#map = affine_map<(d0, d1) -> (0)>
#map1 = affine_map<(d0, d1) -> (0, 0)>
module attributes {stable_mosaic.version = 14 : i64} {
  func.func @k(%arg0: i32, %arg1: i32, %arg2: memref<16384xi32, #tpu.memory_space<hbm>>, %arg3: memref<16384xi32, #tpu.memory_space<hbm>>, %arg4: memref<500000x128xf32, #tpu.memory_space<hbm>>, %arg5: memref<50000x128xf32, #tpu.memory_space<hbm>>, %arg6: memref<16384x128xf32, #tpu.memory_space<hbm>>, %arg7: memref<16384x128xf32, #tpu.memory_space<hbm>>, %arg8: memref<256x128xf32, #tpu.memory_space<vmem>>, %arg9: memref<256x128xf32, #tpu.memory_space<vmem>>, %arg10: memref<256xi32, #tpu.memory_space<vmem>>, %arg11: memref<256xi32, #tpu.memory_space<vmem>>, %arg12: memref<512xi32, #tpu.memory_space<vmem>>, %arg13: memref<!tpu.dma_semaphore, #tpu.memory_space<semaphore_mem>>, %arg14: memref<!tpu.dma_semaphore, #tpu.memory_space<semaphore_mem>>, %arg15: memref<256xi32, #tpu.memory_space<vmem>>, %arg16: memref<256xi32, #tpu.memory_space<vmem>>, %arg17: memref<512xi32, #tpu.memory_space<vmem>>) attributes {dimension_semantics = [#tpu.dimension_semantics<core_parallel>, #tpu.dimension_semantics<subcore_parallel>], iteration_bounds = array<i64: 2, 16>, scalar_prefetch = 0 : i64, scratch_operands = 10 : i64, tpu.core_type = #tpu.core_type<sc_vector_subcore>, window_params = [{transform_indices = #map}, {transform_indices = #map}, {transform_indices = #map1}, {transform_indices = #map1}, {transform_indices = #map1}, {transform_indices = #map1}]} {
    %mul3A = arith.constant 2 : i32
    %mul3A_0 = arith.muli %arg1, %mul3A : i32
    %add3A = arith.addi %mul3A_0, %arg0 : i32
    %mul3A_1 = arith.constant 512 : i32
    %mul3A_2 = arith.muli %add3A, %mul3A_1 : i32
    "tpu.region"() ({
      %run_scoped3A = tpu.sem_alloc : memref<!tpu.dma_semaphore, #tpu.memory_space<semaphore_mem>>
      %dma_start3A_34 = tpu.memref_slice %arg2[%mul3A_2] : memref<16384xi32, #tpu.memory_space<hbm>> -> memref<512xi32, #tpu.memory_space<hbm>>
      %dma_start3A_35 = tpu.memref_slice %arg2[%mul3A_2] : memref<16384xi32, #tpu.memory_space<hbm>> -> memref<512xi32, #tpu.memory_space<hbm>>
      tpu.enqueue_dma source(%dma_start3A_35 : memref<512xi32, #tpu.memory_space<hbm>>) target(%arg17 : memref<512xi32, #tpu.memory_space<vmem>>) target_semaphore(%run_scoped3A : memref<!tpu.dma_semaphore, #tpu.memory_space<semaphore_mem>>)
      %dma_wait3A_36 = tpu.memref_slice %arg2[%mul3A_2] : memref<16384xi32, #tpu.memory_space<hbm>> -> memref<512xi32, #tpu.memory_space<hbm>>
      %dma_wait3A_37 = tpu.memref_slice %arg2[%mul3A_2] : memref<16384xi32, #tpu.memory_space<hbm>> -> memref<512xi32, #tpu.memory_space<hbm>>
      tpu.wait_dma2 semaphore(%run_scoped3A : memref<!tpu.dma_semaphore, #tpu.memory_space<semaphore_mem>>) src(%dma_wait3A_37 : memref<512xi32, #tpu.memory_space<hbm>>) dst(%arg17 : memref<512xi32, #tpu.memory_space<vmem>>)
      tpu.yield
    }) : () -> ()
    "tpu.region"() ({
      %run_scoped3A = tpu.sem_alloc : memref<!tpu.dma_semaphore, #tpu.memory_space<semaphore_mem>>
      %dma_start3A_34 = tpu.memref_slice %arg3[%mul3A_2] : memref<16384xi32, #tpu.memory_space<hbm>> -> memref<512xi32, #tpu.memory_space<hbm>>
      %dma_start3A_35 = tpu.memref_slice %arg3[%mul3A_2] : memref<16384xi32, #tpu.memory_space<hbm>> -> memref<512xi32, #tpu.memory_space<hbm>>
      tpu.enqueue_dma source(%dma_start3A_35 : memref<512xi32, #tpu.memory_space<hbm>>) target(%arg12 : memref<512xi32, #tpu.memory_space<vmem>>) target_semaphore(%run_scoped3A : memref<!tpu.dma_semaphore, #tpu.memory_space<semaphore_mem>>)
      %dma_wait3A_36 = tpu.memref_slice %arg3[%mul3A_2] : memref<16384xi32, #tpu.memory_space<hbm>> -> memref<512xi32, #tpu.memory_space<hbm>>
      %dma_wait3A_37 = tpu.memref_slice %arg3[%mul3A_2] : memref<16384xi32, #tpu.memory_space<hbm>> -> memref<512xi32, #tpu.memory_space<hbm>>
      tpu.wait_dma2 semaphore(%run_scoped3A : memref<!tpu.dma_semaphore, #tpu.memory_space<semaphore_mem>>) src(%dma_wait3A_37 : memref<512xi32, #tpu.memory_space<hbm>>) dst(%arg12 : memref<512xi32, #tpu.memory_space<vmem>>)
      tpu.yield
    }) : () -> ()
    %scan3A = arith.constant 0 : i32
    %scan3A_3 = arith.constant 0 : i32
    %scan3A_4 = arith.constant 32 : i32
    %scan3A_5 = arith.addi %scan3A_3, %scan3A_4 : i32
    %scan3A_6 = arith.constant 1 : i32
    scf.for %scan3A_34 = %scan3A_3 to %scan3A_5 step %scan3A_6  : i32 {
      %mul3A_35 = arith.constant 16 : i32
      %mul3A_36 = arith.muli %scan3A_34, %mul3A_35 : i32
      %jit3A = arith.constant 16 : i32
      %eq3A = arith.constant 0 : i32
      %eq3A_37 = arith.cmpi eq, %jit3A, %eq3A : i32
      %jit3A_38 = arith.constant 1 : i32
      %select_n3A = arith.select %eq3A_37, %jit3A_38, %jit3A : i32
      %rem3A = arith.remsi %scan3A_34, %select_n3A : i32
      %ne3A = arith.constant 0 : i32
      %ne3A_39 = arith.cmpi ne, %rem3A, %ne3A : i32
      %lt3A = arith.constant 0 : i32
      %lt3A_40 = arith.cmpi slt, %rem3A, %lt3A : i32
      %lt3A_41 = arith.constant 0 : i32
      %lt3A_42 = arith.cmpi slt, %select_n3A, %lt3A_41 : i32
      %ne3A_43 = arith.xori %lt3A_40, %lt3A_42 : i1
      %and3A = arith.andi %ne3A_43, %ne3A_39 : i1
      %add3A_44 = arith.addi %rem3A, %select_n3A : i32
      %select_n3A_45 = arith.select %and3A, %add3A_44, %rem3A : i32
      %mul3A_46 = arith.constant 16 : i32
      %mul3A_47 = arith.muli %select_n3A_45, %mul3A_46 : i32
      %get3A = arith.index_cast %mul3A_36 : i32 to index
      %get3A_48 = tpu.vector_load %arg17[%get3A] {strides = array<i32>} : memref<512xi32, #tpu.memory_space<vmem>>, vector<16xi32>,
      %get3A_49 = vector.shape_cast %get3A_48 : vector<16xi32> to vector<16xi32>
      %shift_right_logical3A = arith.constant 1 : i32
      %shift_right_logical3A_50 = vector.broadcast %shift_right_logical3A : i32 to vector<16xi32>
      %shift_right_logical3A_51 = arith.shrui %get3A_49, %shift_right_logical3A_50 : vector<16xi32>
      %get3A_52 = arith.index_cast %mul3A_36 : i32 to index
      %get3A_53 = tpu.vector_load %arg12[%get3A_52] {strides = array<i32>} : memref<512xi32, #tpu.memory_space<vmem>>, vector<16xi32>,
      %get3A_54 = vector.shape_cast %get3A_53 : vector<16xi32> to vector<16xi32>
      %shift_right_logical3A_55 = arith.constant 1 : i32
      %shift_right_logical3A_56 = vector.broadcast %shift_right_logical3A_55 : i32 to vector<16xi32>
      %shift_right_logical3A_57 = arith.shrui %get3A_54, %shift_right_logical3A_56 : vector<16xi32>
      %lt3A_58 = arith.constant 16 : i32
      %lt3A_59 = arith.cmpi slt, %scan3A_34, %lt3A_58 : i32
      %convert_element_type3A = arith.extui %lt3A_59 : i1 to i32
      %cond3A = arith.constant 0 : i32
      %cond3A_60 = arith.cmpi ne, %convert_element_type3A, %cond3A : i32
      scf.if %cond3A_60 {
        %swap3A = arith.index_cast %mul3A_47 : i32 to index
        %swap3A_65 = tpu.vector_load %arg15[%swap3A] {strides = array<i32>} : memref<256xi32, #tpu.memory_space<vmem>>, vector<16xi32>,
        %swap3A_66 = vector.shape_cast %swap3A_65 : vector<16xi32> to vector<16xi32>
        %swap3A_67 = vector.shape_cast %shift_right_logical3A_51 : vector<16xi32> to vector<16xi32>
        tpu.vector_store %arg15[%swap3A], %swap3A_67 {strides = array<i32>} : memref<256xi32, #tpu.memory_space<vmem>>, vector<16xi32>,
        %swap3A_68 = arith.index_cast %mul3A_47 : i32 to index
        %swap3A_69 = tpu.vector_load %arg10[%swap3A_68] {strides = array<i32>} : memref<256xi32, #tpu.memory_space<vmem>>, vector<16xi32>,
        %swap3A_70 = vector.shape_cast %swap3A_69 : vector<16xi32> to vector<16xi32>
        %swap3A_71 = vector.shape_cast %shift_right_logical3A_57 : vector<16xi32> to vector<16xi32>
        tpu.vector_store %arg10[%swap3A_68], %swap3A_71 {strides = array<i32>} : memref<256xi32, #tpu.memory_space<vmem>>, vector<16xi32>,
      } else {
      }
      %ge3A = arith.constant 16 : i32
      %ge3A_61 = arith.cmpi sge, %scan3A_34, %ge3A : i32
      %convert_element_type3A_62 = arith.extui %ge3A_61 : i1 to i32
      %cond3A_63 = arith.constant 0 : i32
      %cond3A_64 = arith.cmpi ne, %convert_element_type3A_62, %cond3A_63 : i32
      scf.if %cond3A_64 {
        %swap3A = arith.index_cast %mul3A_47 : i32 to index
        %swap3A_65 = tpu.vector_load %arg16[%swap3A] {strides = array<i32>} : memref<256xi32, #tpu.memory_space<vmem>>, vector<16xi32>,
        %swap3A_66 = vector.shape_cast %swap3A_65 : vector<16xi32> to vector<16xi32>
        %swap3A_67 = vector.shape_cast %shift_right_logical3A_51 : vector<16xi32> to vector<16xi32>
        tpu.vector_store %arg16[%swap3A], %swap3A_67 {strides = array<i32>} : memref<256xi32, #tpu.memory_space<vmem>>, vector<16xi32>,
        %swap3A_68 = arith.index_cast %mul3A_47 : i32 to index
        %swap3A_69 = tpu.vector_load %arg11[%swap3A_68] {strides = array<i32>} : memref<256xi32, #tpu.memory_space<vmem>>, vector<16xi32>,
        %swap3A_70 = vector.shape_cast %swap3A_69 : vector<16xi32> to vector<16xi32>
        %swap3A_71 = vector.shape_cast %shift_right_logical3A_57 : vector<16xi32> to vector<16xi32>
        tpu.vector_store %arg11[%swap3A_68], %swap3A_71 {strides = array<i32>} : memref<256xi32, #tpu.memory_space<vmem>>, vector<16xi32>,
      } else {
      }
    }
    %scan3A_7 = arith.constant 32 : i32
    %dma_start3A = arith.constant 0 : i32
    %dma_start3A_8 = arith.constant 0 : i32
    %dma_start3A_9 = tpu.memref_slice %arg4[%dma_start3A, %dma_start3A_8] : memref<500000x128xf32, #tpu.memory_space<hbm>> -> memref<500000x128xf32, #tpu.memory_space<hbm>>
    tpu.enqueue_indirect_dma source(%dma_start3A_9 : memref<500000x128xf32, #tpu.memory_space<hbm>>) target(%arg8 : memref<256x128xf32, #tpu.memory_space<vmem>>) offsets(%arg15 : memref<256xi32, #tpu.memory_space<vmem>>) semaphore(%arg13 : memref<!tpu.dma_semaphore, #tpu.memory_space<semaphore_mem>>)
    %dma_start3A_10 = arith.constant 0 : i32
    %dma_start3A_11 = arith.constant 0 : i32
    %dma_start3A_12 = tpu.memref_slice %arg4[%dma_start3A_10, %dma_start3A_11] : memref<500000x128xf32, #tpu.memory_space<hbm>> -> memref<500000x128xf32, #tpu.memory_space<hbm>>
    tpu.enqueue_indirect_dma source(%dma_start3A_12 : memref<500000x128xf32, #tpu.memory_space<hbm>>) target(%arg9 : memref<256x128xf32, #tpu.memory_space<vmem>>) offsets(%arg16 : memref<256xi32, #tpu.memory_space<vmem>>) semaphore(%arg14 : memref<!tpu.dma_semaphore, #tpu.memory_space<semaphore_mem>>)
    %dma_wait3A = arith.constant 0 : i32
    %dma_wait3A_13 = arith.constant 0 : i32
    %dma_wait3A_14 = tpu.memref_slice %arg4[%dma_wait3A, %dma_wait3A_13] : memref<500000x128xf32, #tpu.memory_space<hbm>> -> memref<500000x128xf32, #tpu.memory_space<hbm>>
    tpu.wait_indirect_dma semaphore(%arg13 : memref<!tpu.dma_semaphore, #tpu.memory_space<semaphore_mem>>) src(%dma_wait3A_14 : memref<500000x128xf32, #tpu.memory_space<hbm>>) dst(%arg8 : memref<256x128xf32, #tpu.memory_space<vmem>>)
    "tpu.region"() ({
      %run_scoped3A = tpu.sem_alloc : memref<!tpu.dma_semaphore, #tpu.memory_space<semaphore_mem>>
      %dma_start3A_34 = arith.constant 0 : i32
      %dma_start3A_35 = tpu.memref_slice %arg6[%mul3A_2, %dma_start3A_34] : memref<16384x128xf32, #tpu.memory_space<hbm>> -> memref<256x128xf32, #tpu.memory_space<hbm>>
      %dma_start3A_36 = arith.constant 0 : i32
      %dma_start3A_37 = tpu.memref_slice %arg6[%mul3A_2, %dma_start3A_36] : memref<16384x128xf32, #tpu.memory_space<hbm>> -> memref<256x128xf32, #tpu.memory_space<hbm>>
      tpu.enqueue_dma source(%arg8 : memref<256x128xf32, #tpu.memory_space<vmem>>) target(%dma_start3A_37 : memref<256x128xf32, #tpu.memory_space<hbm>>) target_semaphore(%run_scoped3A : memref<!tpu.dma_semaphore, #tpu.memory_space<semaphore_mem>>)
      %dma_wait3A_38 = arith.constant 0 : i32
      %dma_wait3A_39 = tpu.memref_slice %arg6[%mul3A_2, %dma_wait3A_38] : memref<16384x128xf32, #tpu.memory_space<hbm>> -> memref<256x128xf32, #tpu.memory_space<hbm>>
      %dma_wait3A_40 = arith.constant 0 : i32
      %dma_wait3A_41 = tpu.memref_slice %arg6[%mul3A_2, %dma_wait3A_40] : memref<16384x128xf32, #tpu.memory_space<hbm>> -> memref<256x128xf32, #tpu.memory_space<hbm>>
      tpu.wait_dma2 semaphore(%run_scoped3A : memref<!tpu.dma_semaphore, #tpu.memory_space<semaphore_mem>>) src(%arg8 : memref<256x128xf32, #tpu.memory_space<vmem>>) dst(%dma_wait3A_41 : memref<256x128xf32, #tpu.memory_space<hbm>>)
      tpu.yield
    }) : () -> ()
    %dma_start3A_15 = arith.constant 0 : i32
    %dma_start3A_16 = arith.constant 0 : i32
    %dma_start3A_17 = tpu.memref_slice %arg5[%dma_start3A_15, %dma_start3A_16] : memref<50000x128xf32, #tpu.memory_space<hbm>> -> memref<50000x128xf32, #tpu.memory_space<hbm>>
    tpu.enqueue_indirect_dma source(%dma_start3A_17 : memref<50000x128xf32, #tpu.memory_space<hbm>>) target(%arg8 : memref<256x128xf32, #tpu.memory_space<vmem>>) offsets(%arg10 : memref<256xi32, #tpu.memory_space<vmem>>) semaphore(%arg13 : memref<!tpu.dma_semaphore, #tpu.memory_space<semaphore_mem>>)
    %dma_wait3A_18 = arith.constant 0 : i32
    %dma_wait3A_19 = arith.constant 0 : i32
    %dma_wait3A_20 = tpu.memref_slice %arg4[%dma_wait3A_18, %dma_wait3A_19] : memref<500000x128xf32, #tpu.memory_space<hbm>> -> memref<500000x128xf32, #tpu.memory_space<hbm>>
    tpu.wait_indirect_dma semaphore(%arg14 : memref<!tpu.dma_semaphore, #tpu.memory_space<semaphore_mem>>) src(%dma_wait3A_20 : memref<500000x128xf32, #tpu.memory_space<hbm>>) dst(%arg9 : memref<256x128xf32, #tpu.memory_space<vmem>>)
    %add3A_21 = arith.constant 256 : i32
    %add3A_22 = arith.addi %mul3A_2, %add3A_21 : i32
    "tpu.region"() ({
      %run_scoped3A = tpu.sem_alloc : memref<!tpu.dma_semaphore, #tpu.memory_space<semaphore_mem>>
      %dma_start3A_34 = arith.constant 0 : i32
      %dma_start3A_35 = tpu.memref_slice %arg6[%add3A_22, %dma_start3A_34] : memref<16384x128xf32, #tpu.memory_space<hbm>> -> memref<256x128xf32, #tpu.memory_space<hbm>>
      %dma_start3A_36 = arith.constant 0 : i32
      %dma_start3A_37 = tpu.memref_slice %arg6[%add3A_22, %dma_start3A_36] : memref<16384x128xf32, #tpu.memory_space<hbm>> -> memref<256x128xf32, #tpu.memory_space<hbm>>
      tpu.enqueue_dma source(%arg9 : memref<256x128xf32, #tpu.memory_space<vmem>>) target(%dma_start3A_37 : memref<256x128xf32, #tpu.memory_space<hbm>>) target_semaphore(%run_scoped3A : memref<!tpu.dma_semaphore, #tpu.memory_space<semaphore_mem>>)
      %dma_wait3A_38 = arith.constant 0 : i32
      %dma_wait3A_39 = tpu.memref_slice %arg6[%add3A_22, %dma_wait3A_38] : memref<16384x128xf32, #tpu.memory_space<hbm>> -> memref<256x128xf32, #tpu.memory_space<hbm>>
      %dma_wait3A_40 = arith.constant 0 : i32
      %dma_wait3A_41 = tpu.memref_slice %arg6[%add3A_22, %dma_wait3A_40] : memref<16384x128xf32, #tpu.memory_space<hbm>> -> memref<256x128xf32, #tpu.memory_space<hbm>>
      tpu.wait_dma2 semaphore(%run_scoped3A : memref<!tpu.dma_semaphore, #tpu.memory_space<semaphore_mem>>) src(%arg9 : memref<256x128xf32, #tpu.memory_space<vmem>>) dst(%dma_wait3A_41 : memref<256x128xf32, #tpu.memory_space<hbm>>)
      tpu.yield
    }) : () -> ()
    %dma_start3A_23 = arith.constant 0 : i32
    %dma_start3A_24 = arith.constant 0 : i32
    %dma_start3A_25 = tpu.memref_slice %arg5[%dma_start3A_23, %dma_start3A_24] : memref<50000x128xf32, #tpu.memory_space<hbm>> -> memref<50000x128xf32, #tpu.memory_space<hbm>>
    tpu.enqueue_indirect_dma source(%dma_start3A_25 : memref<50000x128xf32, #tpu.memory_space<hbm>>) target(%arg9 : memref<256x128xf32, #tpu.memory_space<vmem>>) offsets(%arg11 : memref<256xi32, #tpu.memory_space<vmem>>) semaphore(%arg14 : memref<!tpu.dma_semaphore, #tpu.memory_space<semaphore_mem>>)
    %dma_wait3A_26 = arith.constant 0 : i32
    %dma_wait3A_27 = arith.constant 0 : i32
    %dma_wait3A_28 = tpu.memref_slice %arg5[%dma_wait3A_26, %dma_wait3A_27] : memref<50000x128xf32, #tpu.memory_space<hbm>> -> memref<50000x128xf32, #tpu.memory_space<hbm>>
    tpu.wait_indirect_dma semaphore(%arg13 : memref<!tpu.dma_semaphore, #tpu.memory_space<semaphore_mem>>) src(%dma_wait3A_28 : memref<50000x128xf32, #tpu.memory_space<hbm>>) dst(%arg8 : memref<256x128xf32, #tpu.memory_space<vmem>>)
    "tpu.region"() ({
      %run_scoped3A = tpu.sem_alloc : memref<!tpu.dma_semaphore, #tpu.memory_space<semaphore_mem>>
      %dma_start3A_34 = arith.constant 0 : i32
      %dma_start3A_35 = tpu.memref_slice %arg7[%mul3A_2, %dma_start3A_34] : memref<16384x128xf32, #tpu.memory_space<hbm>> -> memref<256x128xf32, #tpu.memory_space<hbm>>
      %dma_start3A_36 = arith.constant 0 : i32
      %dma_start3A_37 = tpu.memref_slice %arg7[%mul3A_2, %dma_start3A_36] : memref<16384x128xf32, #tpu.memory_space<hbm>> -> memref<256x128xf32, #tpu.memory_space<hbm>>
      tpu.enqueue_dma source(%arg8 : memref<256x128xf32, #tpu.memory_space<vmem>>) target(%dma_start3A_37 : memref<256x128xf32, #tpu.memory_space<hbm>>) target_semaphore(%run_scoped3A : memref<!tpu.dma_semaphore, #tpu.memory_space<semaphore_mem>>)
      %dma_wait3A_38 = arith.constant 0 : i32
      %dma_wait3A_39 = tpu.memref_slice %arg7[%mul3A_2, %dma_wait3A_38] : memref<16384x128xf32, #tpu.memory_space<hbm>> -> memref<256x128xf32, #tpu.memory_space<hbm>>
      %dma_wait3A_40 = arith.constant 0 : i32
      %dma_wait3A_41 = tpu.memref_slice %arg7[%mul3A_2, %dma_wait3A_40] : memref<16384x128xf32, #tpu.memory_space<hbm>> -> memref<256x128xf32, #tpu.memory_space<hbm>>
      tpu.wait_dma2 semaphore(%run_scoped3A : memref<!tpu.dma_semaphore, #tpu.memory_space<semaphore_mem>>) src(%arg8 : memref<256x128xf32, #tpu.memory_space<vmem>>) dst(%dma_wait3A_41 : memref<256x128xf32, #tpu.memory_space<hbm>>)
      tpu.yield
    }) : () -> ()
    %dma_wait3A_29 = arith.constant 0 : i32
    %dma_wait3A_30 = arith.constant 0 : i32
    %dma_wait3A_31 = tpu.memref_slice %arg5[%dma_wait3A_29, %dma_wait3A_30] : memref<50000x128xf32, #tpu.memory_space<hbm>> -> memref<50000x128xf32, #tpu.memory_space<hbm>>
    tpu.wait_indirect_dma semaphore(%arg14 : memref<!tpu.dma_semaphore, #tpu.memory_space<semaphore_mem>>) src(%dma_wait3A_31 : memref<50000x128xf32, #tpu.memory_space<hbm>>) dst(%arg9 : memref<256x128xf32, #tpu.memory_space<vmem>>)
    %add3A_32 = arith.constant 256 : i32
    %add3A_33 = arith.addi %mul3A_2, %add3A_32 : i32
    "tpu.region"() ({
      %run_scoped3A = tpu.sem_alloc : memref<!tpu.dma_semaphore, #tpu.memory_space<semaphore_mem>>
      %dma_start3A_34 = arith.constant 0 : i32
      %dma_start3A_35 = tpu.memref_slice %arg7[%add3A_33, %dma_start3A_34] : memref<16384x128xf32, #tpu.memory_space<hbm>> -> memref<256x128xf32, #tpu.memory_space<hbm>>
      %dma_start3A_36 = arith.constant 0 : i32
      %dma_start3A_37 = tpu.memref_slice %arg7[%add3A_33, %dma_start3A_36] : memref<16384x128xf32, #tpu.memory_space<hbm>> -> memref<256x128xf32, #tpu.memory_space<hbm>>
      tpu.enqueue_dma source(%arg9 : memref<256x128xf32, #tpu.memory_space<vmem>>) target(%dma_start3A_37 : memref<256x128xf32, #tpu.memory_space<hbm>>) target_semaphore(%run_scoped3A : memref<!tpu.dma_semaphore, #tpu.memory_space<semaphore_mem>>)
      %dma_wait3A_38 = arith.constant 0 : i32
      %dma_wait3A_39 = tpu.memref_slice %arg7[%add3A_33, %dma_wait3A_38] : memref<16384x128xf32, #tpu.memory_space<hbm>> -> memref<256x128xf32, #tpu.memory_space<hbm>>
      %dma_wait3A_40 = arith.constant 0 : i32
      %dma_wait3A_41 = tpu.memref_slice %arg7[%add3A_33, %dma_wait3A_40] : memref<16384x128xf32, #tpu.memory_space<hbm>> -> memref<256x128xf32, #tpu.memory_space<hbm>>
      tpu.wait_dma2 semaphore(%run_scoped3A : memref<!tpu.dma_semaphore, #tpu.memory_space<semaphore_mem>>) src(%arg9 : memref<256x128xf32, #tpu.memory_space<vmem>>) dst(%dma_wait3A_41 : memref<256x128xf32, #tpu.memory_space<hbm>>)
      tpu.yield
    }) : () -> ()
    return
  }
}

module attributes {stable_mosaic.version = 14 : i64} {
  func.func @_tc_body(%arg0: i32, %arg1: memref<2048x128xf32, #tpu.memory_space<vmem>>, %arg2: memref<2048x128xf32, #tpu.memory_space<vmem>>, %arg3: memref<2048x32xf32, #tpu.memory_space<vmem>>, %arg4: memref<2048x1xi32, #tpu.memory_space<vmem>>, %arg5: memref<2048x1xi32, #tpu.memory_space<vmem>>, %arg6: memref<2048x1xi32, #tpu.memory_space<vmem>>, %arg7: memref<2048x1xi32, #tpu.memory_space<vmem>>, %arg8: memref<2048x1xi32, #tpu.memory_space<vmem>>, %arg9: memref<2048x18xi32, #tpu.memory_space<vmem>>, %arg10: memref<2x32xf32, #tpu.memory_space<vmem>>, %arg11: memref<7x32xf32, #tpu.memory_space<vmem>>, %arg12: memref<21x32xf32, #tpu.memory_space<vmem>>, %arg13: memref<19x32xf32, #tpu.memory_space<vmem>>, %arg14: memref<64x64xf32, #tpu.memory_space<vmem>>, %arg15: memref<1x64xf32, #tpu.memory_space<vmem>>, %arg16: memref<32x64xf32, #tpu.memory_space<vmem>>, %arg17: memref<1x64xf32, #tpu.memory_space<vmem>>, %arg18: memref<32x64xf32, #tpu.memory_space<vmem>>, %arg19: memref<1x64xf32, #tpu.memory_space<vmem>>, %arg20: memref<32x64xf32, #tpu.memory_space<vmem>>, %arg21: memref<1x64xf32, #tpu.memory_space<vmem>>, %arg22: memref<256x200xf32, #tpu.memory_space<vmem>>, %arg23: memref<1x200xf32, #tpu.memory_space<vmem>>, %arg24: memref<64x64xf32, #tpu.memory_space<vmem>>, %arg25: memref<1x64xf32, #tpu.memory_space<vmem>>, %arg26: memref<32x64xf32, #tpu.memory_space<vmem>>, %arg27: memref<1x64xf32, #tpu.memory_space<vmem>>, %arg28: memref<32x64xf32, #tpu.memory_space<vmem>>, %arg29: memref<1x64xf32, #tpu.memory_space<vmem>>, %arg30: memref<192x200xf32, #tpu.memory_space<vmem>>, %arg31: memref<1x200xf32, #tpu.memory_space<vmem>>, %arg32: memref<2048x1xf32, #tpu.memory_space<vmem>>) attributes {dimension_semantics = [#tpu.dimension_semantics<arbitrary>], iteration_bounds = array<i64: 8>, scalar_prefetch = 0 : i64, scratch_operands = 0 : i64, tpu.core_type = #tpu.core_type<tc>, window_params = [{transform_indices = @transform_0, window_bounds = array<i64: 2048, 128>}, {transform_indices = @transform_1, window_bounds = array<i64: 2048, 128>}, {transform_indices = @transform_2, window_bounds = array<i64: 2048, 32>}, {transform_indices = @transform_3, window_bounds = array<i64: 2048, 1>}, {transform_indices = @transform_4, window_bounds = array<i64: 2048, 1>}, {transform_indices = @transform_5, window_bounds = array<i64: 2048, 1>}, {transform_indices = @transform_6, window_bounds = array<i64: 2048, 1>}, {transform_indices = @transform_7, window_bounds = array<i64: 2048, 1>}, {transform_indices = @transform_8, window_bounds = array<i64: 2048, 18>}, {pipeline_mode = #tpu.pipeline_mode<synchronous>, transform_indices = @transform_9, window_bounds = array<i64: 2, 32>}, {pipeline_mode = #tpu.pipeline_mode<synchronous>, transform_indices = @transform_10, window_bounds = array<i64: 7, 32>}, {pipeline_mode = #tpu.pipeline_mode<synchronous>, transform_indices = @transform_11, window_bounds = array<i64: 21, 32>}, {pipeline_mode = #tpu.pipeline_mode<synchronous>, transform_indices = @transform_12, window_bounds = array<i64: 19, 32>}, {pipeline_mode = #tpu.pipeline_mode<synchronous>, transform_indices = @transform_13, window_bounds = array<i64: 64, 64>}, {pipeline_mode = #tpu.pipeline_mode<synchronous>, transform_indices = @transform_14, window_bounds = array<i64: 1, 64>}, {pipeline_mode = #tpu.pipeline_mode<synchronous>, transform_indices = @transform_15, window_bounds = array<i64: 32, 64>}, {pipeline_mode = #tpu.pipeline_mode<synchronous>, transform_indices = @transform_16, window_bounds = array<i64: 1, 64>}, {pipeline_mode = #tpu.pipeline_mode<synchronous>, transform_indices = @transform_17, window_bounds = array<i64: 32, 64>}, {pipeline_mode = #tpu.pipeline_mode<synchronous>, transform_indices = @transform_18, window_bounds = array<i64: 1, 64>}, {pipeline_mode = #tpu.pipeline_mode<synchronous>, transform_indices = @transform_19, window_bounds = array<i64: 32, 64>}, {pipeline_mode = #tpu.pipeline_mode<synchronous>, transform_indices = @transform_20, window_bounds = array<i64: 1, 64>}, {pipeline_mode = #tpu.pipeline_mode<synchronous>, transform_indices = @transform_21, window_bounds = array<i64: 256, 200>}, {pipeline_mode = #tpu.pipeline_mode<synchronous>, transform_indices = @transform_22, window_bounds = array<i64: 1, 200>}, {pipeline_mode = #tpu.pipeline_mode<synchronous>, transform_indices = @transform_23, window_bounds = array<i64: 64, 64>}, {pipeline_mode = #tpu.pipeline_mode<synchronous>, transform_indices = @transform_24, window_bounds = array<i64: 1, 64>}, {pipeline_mode = #tpu.pipeline_mode<synchronous>, transform_indices = @transform_25, window_bounds = array<i64: 32, 64>}, {pipeline_mode = #tpu.pipeline_mode<synchronous>, transform_indices = @transform_26, window_bounds = array<i64: 1, 64>}, {pipeline_mode = #tpu.pipeline_mode<synchronous>, transform_indices = @transform_27, window_bounds = array<i64: 32, 64>}, {pipeline_mode = #tpu.pipeline_mode<synchronous>, transform_indices = @transform_28, window_bounds = array<i64: 1, 64>}, {pipeline_mode = #tpu.pipeline_mode<synchronous>, transform_indices = @transform_29, window_bounds = array<i64: 192, 200>}, {pipeline_mode = #tpu.pipeline_mode<synchronous>, transform_indices = @transform_30, window_bounds = array<i64: 1, 200>}, {transform_indices = @transform_31, window_bounds = array<i64: 2048, 1>}]} {
    %get3A = arith.constant 0 : index
    %get3A_0 = arith.constant 0 : index
    %get3A_1 = vector.load %arg1[%get3A, %get3A_0] : memref<2048x128xf32, #tpu.memory_space<vmem>>, vector<2048x128xf32>
    %get3A_2 = arith.constant 0 : index
    %get3A_3 = arith.constant 0 : index
    %get3A_4 = vector.load %arg4[%get3A_2, %get3A_3] : memref<2048x1xi32, #tpu.memory_space<vmem>>, vector<2048x1xi32>
    %and3A = arith.constant 1 : i32
    %and3A_5 = vector.broadcast %and3A : i32 to vector<2048x1xi32>
    %and3A_6 = arith.andi %get3A_4, %and3A_5 : vector<2048x1xi32>
    %convert_element_type3A = arith.sitofp %and3A_6 : vector<2048x1xi32> to vector<2048x1xf32>
    %broadcast_in_dim3A = arith.constant 1.000000e+00 : f32
    %broadcast_in_dim3A_7 = vector.broadcast %broadcast_in_dim3A : f32 to vector<1x64xf32>
    %dot_general3A = arith.constant dense<0.000000e+00> : vector<2048x64xf32>
    %dot_general3A_8 = tpu.matmul %convert_element_type3A, %broadcast_in_dim3A_7, %dot_general3A {dimension_numbers = #tpu.dot_dimension_numbers<[1], [0], [0], [1], [0, 0, 1, 1], [], []>, transpose_lhs_hint = false} : vector<2048x1xf32>, vector<1x64xf32>, vector<2048x64xf32> -> vector<2048x64xf32>
    %slice3A = vector.extract_strided_slice %get3A_1 {offsets = [0, 0], sizes = [2048, 64], strides = [1, 1]} : vector<2048x128xf32> to vector<2048x64xf32>
    %slice3A_9 = vector.extract_strided_slice %get3A_1 {offsets = [0, 64], sizes = [2048, 64], strides = [1, 1]} : vector<2048x128xf32> to vector<2048x64xf32>
    %sub3A = arith.subf %slice3A_9, %slice3A : vector<2048x64xf32>
    %mul3A = arith.mulf %dot_general3A_8, %sub3A : vector<2048x64xf32>
    %add3A = arith.addf %slice3A, %mul3A : vector<2048x64xf32>
    %get3A_10 = arith.constant 0 : index
    %get3A_11 = arith.constant 0 : index
    %get3A_12 = vector.load %arg2[%get3A_10, %get3A_11] : memref<2048x128xf32, #tpu.memory_space<vmem>>, vector<2048x128xf32>
    %get3A_13 = arith.constant 0 : index
    %get3A_14 = arith.constant 0 : index
    %get3A_15 = vector.load %arg5[%get3A_13, %get3A_14] : memref<2048x1xi32, #tpu.memory_space<vmem>>, vector<2048x1xi32>
    %and3A_16 = arith.constant 1 : i32
    %and3A_17 = vector.broadcast %and3A_16 : i32 to vector<2048x1xi32>
    %and3A_18 = arith.andi %get3A_15, %and3A_17 : vector<2048x1xi32>
    %convert_element_type3A_19 = arith.sitofp %and3A_18 : vector<2048x1xi32> to vector<2048x1xf32>
    %broadcast_in_dim3A_20 = arith.constant 1.000000e+00 : f32
    %broadcast_in_dim3A_21 = vector.broadcast %broadcast_in_dim3A_20 : f32 to vector<1x64xf32>
    %dot_general3A_22 = arith.constant dense<0.000000e+00> : vector<2048x64xf32>
    %dot_general3A_23 = tpu.matmul %convert_element_type3A_19, %broadcast_in_dim3A_21, %dot_general3A_22 {dimension_numbers = #tpu.dot_dimension_numbers<[1], [0], [0], [1], [0, 0, 1, 1], [], []>, transpose_lhs_hint = false} : vector<2048x1xf32>, vector<1x64xf32>, vector<2048x64xf32> -> vector<2048x64xf32>
    %slice3A_24 = vector.extract_strided_slice %get3A_12 {offsets = [0, 0], sizes = [2048, 64], strides = [1, 1]} : vector<2048x128xf32> to vector<2048x64xf32>
    %slice3A_25 = vector.extract_strided_slice %get3A_12 {offsets = [0, 64], sizes = [2048, 64], strides = [1, 1]} : vector<2048x128xf32> to vector<2048x64xf32>
    %sub3A_26 = arith.subf %slice3A_25, %slice3A_24 : vector<2048x64xf32>
    %mul3A_27 = arith.mulf %dot_general3A_23, %sub3A_26 : vector<2048x64xf32>
    %add3A_28 = arith.addf %slice3A_24, %mul3A_27 : vector<2048x64xf32>
    %get3A_29 = arith.constant 0 : index
    %get3A_30 = arith.constant 0 : index
    %get3A_31 = vector.load %arg14[%get3A_29, %get3A_30] : memref<64x64xf32, #tpu.memory_space<vmem>>, vector<64x64xf32>
    %dot_general3A_32 = arith.constant dense<0.000000e+00> : vector<2048x64xf32>
    %dot_general3A_33 = tpu.matmul %add3A, %get3A_31, %dot_general3A_32 {dimension_numbers = #tpu.dot_dimension_numbers<[1], [0], [0], [1], [0, 0, 1, 1], [], []>, transpose_lhs_hint = false} : vector<2048x64xf32>, vector<64x64xf32>, vector<2048x64xf32> -> vector<2048x64xf32>
    %get3A_34 = arith.constant 0 : index
    %get3A_35 = arith.constant 0 : index
    %get3A_36 = vector.load %arg15[%get3A_34, %get3A_35] : memref<1x64xf32, #tpu.memory_space<vmem>>, vector<1x64xf32>
    %add3A_37 = vector.broadcast %get3A_36 : vector<1x64xf32> to vector<2048x64xf32>
    %add3A_38 = arith.addf %dot_general3A_33, %add3A_37 : vector<2048x64xf32>
    %max3A = arith.constant 0.000000e+00 : f32
    %max3A_39 = vector.broadcast %max3A : f32 to vector<2048x64xf32>
    %max3A_40 = arith.maximumf %add3A_38, %max3A_39 : vector<2048x64xf32>
    %get3A_41 = arith.constant 0 : index
    %get3A_42 = arith.constant 0 : index
    %get3A_43 = vector.load %arg6[%get3A_41, %get3A_42] : memref<2048x1xi32, #tpu.memory_space<vmem>>, vector<2048x1xi32>
    %iota3A = tpu.iota {dimensions = array<i32: 1>} : vector<2048x2xi32>
    %eq3A = vector.broadcast %get3A_43 : vector<2048x1xi32> to vector<2048x2xi32>
    %eq3A_44 = arith.cmpi eq, %eq3A, %iota3A : vector<2048x2xi32>
    %convert_element_type3A_45 = arith.extui %eq3A_44 : vector<2048x2xi1> to vector<2048x2xi32>
    %convert_element_type3A_46 = arith.sitofp %convert_element_type3A_45 : vector<2048x2xi32> to vector<2048x2xf32>
    %get3A_47 = arith.constant 0 : index
    %get3A_48 = arith.constant 0 : index
    %get3A_49 = vector.load %arg10[%get3A_47, %get3A_48] : memref<2x32xf32, #tpu.memory_space<vmem>>, vector<2x32xf32>
    %dot_general3A_50 = arith.constant dense<0.000000e+00> : vector<2048x32xf32>
    %dot_general3A_51 = tpu.matmul %convert_element_type3A_46, %get3A_49, %dot_general3A_50 {dimension_numbers = #tpu.dot_dimension_numbers<[1], [0], [0], [1], [0, 0, 1, 1], [], []>, transpose_lhs_hint = false} : vector<2048x2xf32>, vector<2x32xf32>, vector<2048x32xf32> -> vector<2048x32xf32>
    %get3A_52 = arith.constant 0 : index
    %get3A_53 = arith.constant 0 : index
    %get3A_54 = vector.load %arg16[%get3A_52, %get3A_53] : memref<32x64xf32, #tpu.memory_space<vmem>>, vector<32x64xf32>
    %dot_general3A_55 = arith.constant dense<0.000000e+00> : vector<2048x64xf32>
    %dot_general3A_56 = tpu.matmul %dot_general3A_51, %get3A_54, %dot_general3A_55 {dimension_numbers = #tpu.dot_dimension_numbers<[1], [0], [0], [1], [0, 0, 1, 1], [], []>, transpose_lhs_hint = false} : vector<2048x32xf32>, vector<32x64xf32>, vector<2048x64xf32> -> vector<2048x64xf32>
    %get3A_57 = arith.constant 0 : index
    %get3A_58 = arith.constant 0 : index
    %get3A_59 = vector.load %arg17[%get3A_57, %get3A_58] : memref<1x64xf32, #tpu.memory_space<vmem>>, vector<1x64xf32>
    %add3A_60 = vector.broadcast %get3A_59 : vector<1x64xf32> to vector<2048x64xf32>
    %add3A_61 = arith.addf %dot_general3A_56, %add3A_60 : vector<2048x64xf32>
    %max3A_62 = arith.constant 0.000000e+00 : f32
    %max3A_63 = vector.broadcast %max3A_62 : f32 to vector<2048x64xf32>
    %max3A_64 = arith.maximumf %add3A_61, %max3A_63 : vector<2048x64xf32>
    %get3A_65 = arith.constant 0 : index
    %get3A_66 = arith.constant 0 : index
    %get3A_67 = vector.load %arg7[%get3A_65, %get3A_66] : memref<2048x1xi32, #tpu.memory_space<vmem>>, vector<2048x1xi32>
    %iota3A_68 = tpu.iota {dimensions = array<i32: 1>} : vector<2048x7xi32>
    %eq3A_69 = vector.broadcast %get3A_67 : vector<2048x1xi32> to vector<2048x7xi32>
    %eq3A_70 = arith.cmpi eq, %eq3A_69, %iota3A_68 : vector<2048x7xi32>
    %convert_element_type3A_71 = arith.extui %eq3A_70 : vector<2048x7xi1> to vector<2048x7xi32>
    %convert_element_type3A_72 = arith.sitofp %convert_element_type3A_71 : vector<2048x7xi32> to vector<2048x7xf32>
    %get3A_73 = arith.constant 0 : index
    %get3A_74 = arith.constant 0 : index
    %get3A_75 = vector.load %arg11[%get3A_73, %get3A_74] : memref<7x32xf32, #tpu.memory_space<vmem>>, vector<7x32xf32>
    %dot_general3A_76 = arith.constant dense<0.000000e+00> : vector<2048x32xf32>
    %dot_general3A_77 = tpu.matmul %convert_element_type3A_72, %get3A_75, %dot_general3A_76 {dimension_numbers = #tpu.dot_dimension_numbers<[1], [0], [0], [1], [0, 0, 1, 1], [], []>, transpose_lhs_hint = false} : vector<2048x7xf32>, vector<7x32xf32>, vector<2048x32xf32> -> vector<2048x32xf32>
    %get3A_78 = arith.constant 0 : index
    %get3A_79 = arith.constant 0 : index
    %get3A_80 = vector.load %arg18[%get3A_78, %get3A_79] : memref<32x64xf32, #tpu.memory_space<vmem>>, vector<32x64xf32>
    %dot_general3A_81 = arith.constant dense<0.000000e+00> : vector<2048x64xf32>
    %dot_general3A_82 = tpu.matmul %dot_general3A_77, %get3A_80, %dot_general3A_81 {dimension_numbers = #tpu.dot_dimension_numbers<[1], [0], [0], [1], [0, 0, 1, 1], [], []>, transpose_lhs_hint = false} : vector<2048x32xf32>, vector<32x64xf32>, vector<2048x64xf32> -> vector<2048x64xf32>
    %get3A_83 = arith.constant 0 : index
    %get3A_84 = arith.constant 0 : index
    %get3A_85 = vector.load %arg19[%get3A_83, %get3A_84] : memref<1x64xf32, #tpu.memory_space<vmem>>, vector<1x64xf32>
    %add3A_86 = vector.broadcast %get3A_85 : vector<1x64xf32> to vector<2048x64xf32>
    %add3A_87 = arith.addf %dot_general3A_82, %add3A_86 : vector<2048x64xf32>
    %max3A_88 = arith.constant 0.000000e+00 : f32
    %max3A_89 = vector.broadcast %max3A_88 : f32 to vector<2048x64xf32>
    %max3A_90 = arith.maximumf %add3A_87, %max3A_89 : vector<2048x64xf32>
    %get3A_91 = arith.constant 0 : index
    %get3A_92 = arith.constant 0 : index
    %get3A_93 = vector.load %arg8[%get3A_91, %get3A_92] : memref<2048x1xi32, #tpu.memory_space<vmem>>, vector<2048x1xi32>
    %iota3A_94 = tpu.iota {dimensions = array<i32: 1>} : vector<2048x21xi32>
    %eq3A_95 = vector.broadcast %get3A_93 : vector<2048x1xi32> to vector<2048x21xi32>
    %eq3A_96 = arith.cmpi eq, %eq3A_95, %iota3A_94 : vector<2048x21xi32>
    %convert_element_type3A_97 = arith.extui %eq3A_96 : vector<2048x21xi1> to vector<2048x21xi32>
    %convert_element_type3A_98 = arith.sitofp %convert_element_type3A_97 : vector<2048x21xi32> to vector<2048x21xf32>
    %get3A_99 = arith.constant 0 : index
    %get3A_100 = arith.constant 0 : index
    %get3A_101 = vector.load %arg12[%get3A_99, %get3A_100] : memref<21x32xf32, #tpu.memory_space<vmem>>, vector<21x32xf32>
    %dot_general3A_102 = arith.constant dense<0.000000e+00> : vector<2048x32xf32>
    %dot_general3A_103 = tpu.matmul %convert_element_type3A_98, %get3A_101, %dot_general3A_102 {dimension_numbers = #tpu.dot_dimension_numbers<[1], [0], [0], [1], [0, 0, 1, 1], [], []>, transpose_lhs_hint = false} : vector<2048x21xf32>, vector<21x32xf32>, vector<2048x32xf32> -> vector<2048x32xf32>
    %get3A_104 = arith.constant 0 : index
    %get3A_105 = arith.constant 0 : index
    %get3A_106 = vector.load %arg20[%get3A_104, %get3A_105] : memref<32x64xf32, #tpu.memory_space<vmem>>, vector<32x64xf32>
    %dot_general3A_107 = arith.constant dense<0.000000e+00> : vector<2048x64xf32>
    %dot_general3A_108 = tpu.matmul %dot_general3A_103, %get3A_106, %dot_general3A_107 {dimension_numbers = #tpu.dot_dimension_numbers<[1], [0], [0], [1], [0, 0, 1, 1], [], []>, transpose_lhs_hint = false} : vector<2048x32xf32>, vector<32x64xf32>, vector<2048x64xf32> -> vector<2048x64xf32>
    %get3A_109 = arith.constant 0 : index
    %get3A_110 = arith.constant 0 : index
    %get3A_111 = vector.load %arg21[%get3A_109, %get3A_110] : memref<1x64xf32, #tpu.memory_space<vmem>>, vector<1x64xf32>
    %add3A_112 = vector.broadcast %get3A_111 : vector<1x64xf32> to vector<2048x64xf32>
    %add3A_113 = arith.addf %dot_general3A_108, %add3A_112 : vector<2048x64xf32>
    %max3A_114 = arith.constant 0.000000e+00 : f32
    %max3A_115 = vector.broadcast %max3A_114 : f32 to vector<2048x64xf32>
    %max3A_116 = arith.maximumf %add3A_113, %max3A_115 : vector<2048x64xf32>
    %get3A_117 = arith.constant 0 : index
    %get3A_118 = arith.constant 0 : index
    %get3A_119 = vector.load %arg22[%get3A_117, %get3A_118] : memref<256x200xf32, #tpu.memory_space<vmem>>, vector<256x200xf32>
    %slice3A_120 = vector.extract_strided_slice %get3A_119 {offsets = [0, 0], sizes = [64, 200], strides = [1, 1]} : vector<256x200xf32> to vector<64x200xf32>
    %dot_general3A_121 = arith.constant dense<0.000000e+00> : vector<2048x200xf32>
    %dot_general3A_122 = tpu.matmul %max3A_40, %slice3A_120, %dot_general3A_121 {dimension_numbers = #tpu.dot_dimension_numbers<[1], [0], [0], [1], [0, 0, 1, 1], [], []>, transpose_lhs_hint = false} : vector<2048x64xf32>, vector<64x200xf32>, vector<2048x200xf32> -> vector<2048x200xf32>
    %slice3A_123 = vector.extract_strided_slice %get3A_119 {offsets = [64, 0], sizes = [64, 200], strides = [1, 1]} : vector<256x200xf32> to vector<64x200xf32>
    %dot_general3A_124 = arith.constant dense<0.000000e+00> : vector<2048x200xf32>
    %dot_general3A_125 = tpu.matmul %max3A_64, %slice3A_123, %dot_general3A_124 {dimension_numbers = #tpu.dot_dimension_numbers<[1], [0], [0], [1], [0, 0, 1, 1], [], []>, transpose_lhs_hint = false} : vector<2048x64xf32>, vector<64x200xf32>, vector<2048x200xf32> -> vector<2048x200xf32>
    %add3A_126 = arith.addf %dot_general3A_122, %dot_general3A_125 : vector<2048x200xf32>
    %slice3A_127 = vector.extract_strided_slice %get3A_119 {offsets = [128, 0], sizes = [64, 200], strides = [1, 1]} : vector<256x200xf32> to vector<64x200xf32>
    %dot_general3A_128 = arith.constant dense<0.000000e+00> : vector<2048x200xf32>
    %dot_general3A_129 = tpu.matmul %max3A_90, %slice3A_127, %dot_general3A_128 {dimension_numbers = #tpu.dot_dimension_numbers<[1], [0], [0], [1], [0, 0, 1, 1], [], []>, transpose_lhs_hint = false} : vector<2048x64xf32>, vector<64x200xf32>, vector<2048x200xf32> -> vector<2048x200xf32>
    %add3A_130 = arith.addf %add3A_126, %dot_general3A_129 : vector<2048x200xf32>
    %slice3A_131 = vector.extract_strided_slice %get3A_119 {offsets = [192, 0], sizes = [64, 200], strides = [1, 1]} : vector<256x200xf32> to vector<64x200xf32>
    %dot_general3A_132 = arith.constant dense<0.000000e+00> : vector<2048x200xf32>
    %dot_general3A_133 = tpu.matmul %max3A_116, %slice3A_131, %dot_general3A_132 {dimension_numbers = #tpu.dot_dimension_numbers<[1], [0], [0], [1], [0, 0, 1, 1], [], []>, transpose_lhs_hint = false} : vector<2048x64xf32>, vector<64x200xf32>, vector<2048x200xf32> -> vector<2048x200xf32>
    %add3A_134 = arith.addf %add3A_130, %dot_general3A_133 : vector<2048x200xf32>
    %get3A_135 = arith.constant 0 : index
    %get3A_136 = arith.constant 0 : index
    %get3A_137 = vector.load %arg23[%get3A_135, %get3A_136] : memref<1x200xf32, #tpu.memory_space<vmem>>, vector<1x200xf32>
    %add3A_138 = vector.broadcast %get3A_137 : vector<1x200xf32> to vector<2048x200xf32>
    %add3A_139 = arith.addf %add3A_134, %add3A_138 : vector<2048x200xf32>
    %tanh3A = math.tanh %add3A_139 : vector<2048x200xf32>
    %get3A_140 = arith.constant 0 : index
    %get3A_141 = arith.constant 0 : index
    %get3A_142 = vector.load %arg24[%get3A_140, %get3A_141] : memref<64x64xf32, #tpu.memory_space<vmem>>, vector<64x64xf32>
    %dot_general3A_143 = arith.constant dense<0.000000e+00> : vector<2048x64xf32>
    %dot_general3A_144 = tpu.matmul %add3A_28, %get3A_142, %dot_general3A_143 {dimension_numbers = #tpu.dot_dimension_numbers<[1], [0], [0], [1], [0, 0, 1, 1], [], []>, transpose_lhs_hint = false} : vector<2048x64xf32>, vector<64x64xf32>, vector<2048x64xf32> -> vector<2048x64xf32>
    %get3A_145 = arith.constant 0 : index
    %get3A_146 = arith.constant 0 : index
    %get3A_147 = vector.load %arg25[%get3A_145, %get3A_146] : memref<1x64xf32, #tpu.memory_space<vmem>>, vector<1x64xf32>
    %add3A_148 = vector.broadcast %get3A_147 : vector<1x64xf32> to vector<2048x64xf32>
    %add3A_149 = arith.addf %dot_general3A_144, %add3A_148 : vector<2048x64xf32>
    %max3A_150 = arith.constant 0.000000e+00 : f32
    %max3A_151 = vector.broadcast %max3A_150 : f32 to vector<2048x64xf32>
    %max3A_152 = arith.maximumf %add3A_149, %max3A_151 : vector<2048x64xf32>
    %get3A_153 = arith.constant 0 : index
    %get3A_154 = arith.constant 0 : index
    %get3A_155 = vector.load %arg9[%get3A_153, %get3A_154] : memref<2048x18xi32, #tpu.memory_space<vmem>>, vector<2048x18xi32>
    %convert_element_type3A_156 = arith.sitofp %get3A_155 : vector<2048x18xi32> to vector<2048x18xf32>
    %iota3A_157 = tpu.iota {dimensions = array<i32: 0>} : vector<18x342xi32>
    %iota3A_158 = tpu.iota {dimensions = array<i32: 1>} : vector<18x342xi32>
    %jit3A = arith.constant 19 : i32
    %div3A = vector.broadcast %jit3A : i32 to vector<18x342xi32>
    %div3A_159 = arith.divsi %iota3A_158, %div3A : vector<18x342xi32>
    %sign3A = arith.constant 0 : i32
    %sign3A_160 = vector.broadcast %sign3A : i32 to vector<18x342xi32>
    %sign3A_161 = arith.cmpi sgt, %iota3A_158, %sign3A_160 : vector<18x342xi32>
    %sign3A_162 = arith.extui %sign3A_161 : vector<18x342xi1> to vector<18x342xi32>
    %sign3A_163 = arith.constant 0 : i32
    %sign3A_164 = vector.broadcast %sign3A_163 : i32 to vector<18x342xi32>
    %sign3A_165 = arith.cmpi slt, %iota3A_158, %sign3A_164 : vector<18x342xi32>
    %sign3A_166 = arith.extui %sign3A_165 : vector<18x342xi1> to vector<18x342xi32>
    %sign3A_167 = arith.subi %sign3A_162, %sign3A_166 : vector<18x342xi32>
    %sign3A_168 = arith.constant 0 : i32
    %sign3A_169 = arith.cmpi sgt, %jit3A, %sign3A_168 : i32
    %sign3A_170 = arith.extui %sign3A_169 : i1 to i32
    %sign3A_171 = arith.constant 0 : i32
    %sign3A_172 = arith.cmpi slt, %jit3A, %sign3A_171 : i32
    %sign3A_173 = arith.extui %sign3A_172 : i1 to i32
    %sign3A_174 = arith.subi %sign3A_170, %sign3A_173 : i32
    %ne3A = vector.broadcast %sign3A_174 : i32 to vector<18x342xi32>
    %ne3A_175 = arith.cmpi ne, %sign3A_167, %ne3A : vector<18x342xi32>
    %rem3A = vector.broadcast %jit3A : i32 to vector<18x342xi32>
    %rem3A_176 = arith.remsi %iota3A_158, %rem3A : vector<18x342xi32>
    %ne3A_177 = arith.constant 0 : i32
    %ne3A_178 = vector.broadcast %ne3A_177 : i32 to vector<18x342xi32>
    %ne3A_179 = arith.cmpi ne, %rem3A_176, %ne3A_178 : vector<18x342xi32>
    %and3A_180 = arith.andi %ne3A_175, %ne3A_179 : vector<18x342xi1>
    %sub3A_181 = arith.constant 1 : i32
    %sub3A_182 = vector.broadcast %sub3A_181 : i32 to vector<18x342xi32>
    %sub3A_183 = arith.subi %div3A_159, %sub3A_182 : vector<18x342xi32>
    %select_n3A = arith.select %and3A_180, %sub3A_183, %div3A_159 : vector<18x342xi1>, vector<18x342xi32>
    %eq3A_184 = arith.cmpi eq, %select_n3A, %iota3A_157 : vector<18x342xi32>
    %convert_element_type3A_185 = arith.extui %eq3A_184 : vector<18x342xi1> to vector<18x342xi32>
    %convert_element_type3A_186 = arith.sitofp %convert_element_type3A_185 : vector<18x342xi32> to vector<18x342xf32>
    %dot_general3A_187 = arith.constant dense<0.000000e+00> : vector<2048x342xf32>
    %dot_general3A_188 = tpu.matmul %convert_element_type3A_156, %convert_element_type3A_186, %dot_general3A_187 {dimension_numbers = #tpu.dot_dimension_numbers<[1], [0], [0], [1], [0, 0, 1, 1], [], []>, transpose_lhs_hint = false} : vector<2048x18xf32>, vector<18x342xf32>, vector<2048x342xf32> -> vector<2048x342xf32>
    %iota3A_189 = tpu.iota {dimensions = array<i32: 1>} : vector<2048x342xi32>
    %jit3A_190 = arith.constant 19 : i32
    %eq3A_191 = arith.constant 0 : i32
    %eq3A_192 = arith.cmpi eq, %jit3A_190, %eq3A_191 : i32
    %jit3A_193 = arith.constant 1 : i32
    %select_n3A_194 = arith.select %eq3A_192, %jit3A_193, %jit3A_190 : i32
    %rem3A_195 = vector.broadcast %select_n3A_194 : i32 to vector<2048x342xi32>
    %rem3A_196 = arith.remsi %iota3A_189, %rem3A_195 : vector<2048x342xi32>
    %ne3A_197 = arith.constant 0 : i32
    %ne3A_198 = vector.broadcast %ne3A_197 : i32 to vector<2048x342xi32>
    %ne3A_199 = arith.cmpi ne, %rem3A_196, %ne3A_198 : vector<2048x342xi32>
    %lt3A = arith.constant 0 : i32
    %lt3A_200 = vector.broadcast %lt3A : i32 to vector<2048x342xi32>
    %lt3A_201 = arith.cmpi slt, %rem3A_196, %lt3A_200 : vector<2048x342xi32>
    %lt3A_202 = arith.constant 0 : i32
    %lt3A_203 = arith.cmpi slt, %select_n3A_194, %lt3A_202 : i32
    %ne3A_204 = vector.broadcast %lt3A_203 : i1 to vector<2048x342xi1>
    %ne3A_205 = vector.broadcast %ne3A_204 : vector<2048x342xi1> to vector<2048x342xi1>
    %ne3A_206 = arith.xori %lt3A_201, %ne3A_205 : vector<2048x342xi1>
    %and3A_207 = arith.andi %ne3A_206, %ne3A_199 : vector<2048x342xi1>
    %add3A_208 = vector.broadcast %select_n3A_194 : i32 to vector<2048x342xi32>
    %add3A_209 = arith.addi %rem3A_196, %add3A_208 : vector<2048x342xi32>
    %select_n3A_210 = arith.select %and3A_207, %add3A_209, %rem3A_196 : vector<2048x342xi1>, vector<2048x342xi32>
    %convert_element_type3A_211 = arith.sitofp %select_n3A_210 : vector<2048x342xi32> to vector<2048x342xf32>
    %eq3A_212 = arith.cmpf oeq, %dot_general3A_188, %convert_element_type3A_211 : vector<2048x342xf32>
    %convert_element_type3A_213 = arith.extui %eq3A_212 : vector<2048x342xi1> to vector<2048x342xi32>
    %convert_element_type3A_214 = arith.sitofp %convert_element_type3A_213 : vector<2048x342xi32> to vector<2048x342xf32>
    %iota3A_215 = tpu.iota {dimensions = array<i32: 0>} : vector<342x19xi32>
    %jit3A_216 = arith.constant 19 : i32
    %eq3A_217 = arith.constant 0 : i32
    %eq3A_218 = arith.cmpi eq, %jit3A_216, %eq3A_217 : i32
    %jit3A_219 = arith.constant 1 : i32
    %select_n3A_220 = arith.select %eq3A_218, %jit3A_219, %jit3A_216 : i32
    %rem3A_221 = vector.broadcast %select_n3A_220 : i32 to vector<342x19xi32>
    %rem3A_222 = arith.remsi %iota3A_215, %rem3A_221 : vector<342x19xi32>
    %ne3A_223 = arith.constant 0 : i32
    %ne3A_224 = vector.broadcast %ne3A_223 : i32 to vector<342x19xi32>
    %ne3A_225 = arith.cmpi ne, %rem3A_222, %ne3A_224 : vector<342x19xi32>
    %lt3A_226 = arith.constant 0 : i32
    %lt3A_227 = vector.broadcast %lt3A_226 : i32 to vector<342x19xi32>
    %lt3A_228 = arith.cmpi slt, %rem3A_222, %lt3A_227 : vector<342x19xi32>
    %lt3A_229 = arith.constant 0 : i32
    %lt3A_230 = arith.cmpi slt, %select_n3A_220, %lt3A_229 : i32
    %ne3A_231 = vector.broadcast %lt3A_230 : i1 to vector<342x19xi1>
    %ne3A_232 = vector.broadcast %ne3A_231 : vector<342x19xi1> to vector<342x19xi1>
    %ne3A_233 = arith.xori %lt3A_228, %ne3A_232 : vector<342x19xi1>
    %and3A_234 = arith.andi %ne3A_233, %ne3A_225 : vector<342x19xi1>
    %add3A_235 = vector.broadcast %select_n3A_220 : i32 to vector<342x19xi32>
    %add3A_236 = arith.addi %rem3A_222, %add3A_235 : vector<342x19xi32>
    %select_n3A_237 = arith.select %and3A_234, %add3A_236, %rem3A_222 : vector<342x19xi1>, vector<342x19xi32>
    %iota3A_238 = tpu.iota {dimensions = array<i32: 1>} : vector<342x19xi32>
    %eq3A_239 = arith.cmpi eq, %select_n3A_237, %iota3A_238 : vector<342x19xi32>
    %convert_element_type3A_240 = arith.extui %eq3A_239 : vector<342x19xi1> to vector<342x19xi32>
    %convert_element_type3A_241 = arith.sitofp %convert_element_type3A_240 : vector<342x19xi32> to vector<342x19xf32>
    %dot_general3A_242 = arith.constant dense<0.000000e+00> : vector<2048x19xf32>
    %dot_general3A_243 = tpu.matmul %convert_element_type3A_214, %convert_element_type3A_241, %dot_general3A_242 {dimension_numbers = #tpu.dot_dimension_numbers<[1], [0], [0], [1], [0, 0, 1, 1], [], []>, transpose_lhs_hint = false} : vector<2048x342xf32>, vector<342x19xf32>, vector<2048x19xf32> -> vector<2048x19xf32>
    %get3A_244 = arith.constant 0 : index
    %get3A_245 = arith.constant 0 : index
    %get3A_246 = vector.load %arg13[%get3A_244, %get3A_245] : memref<19x32xf32, #tpu.memory_space<vmem>>, vector<19x32xf32>
    %dot_general3A_247 = arith.constant dense<0.000000e+00> : vector<2048x32xf32>
    %dot_general3A_248 = tpu.matmul %dot_general3A_243, %get3A_246, %dot_general3A_247 {dimension_numbers = #tpu.dot_dimension_numbers<[1], [0], [0], [1], [0, 0, 1, 1], [], []>, transpose_lhs_hint = false} : vector<2048x19xf32>, vector<19x32xf32>, vector<2048x32xf32> -> vector<2048x32xf32>
    %get3A_249 = arith.constant 0 : index
    %get3A_250 = arith.constant 0 : index
    %get3A_251 = vector.load %arg26[%get3A_249, %get3A_250] : memref<32x64xf32, #tpu.memory_space<vmem>>, vector<32x64xf32>
    %dot_general3A_252 = arith.constant dense<0.000000e+00> : vector<2048x64xf32>
    %dot_general3A_253 = tpu.matmul %dot_general3A_248, %get3A_251, %dot_general3A_252 {dimension_numbers = #tpu.dot_dimension_numbers<[1], [0], [0], [1], [0, 0, 1, 1], [], []>, transpose_lhs_hint = false} : vector<2048x32xf32>, vector<32x64xf32>, vector<2048x64xf32> -> vector<2048x64xf32>
    %get3A_254 = arith.constant 0 : index
    %get3A_255 = arith.constant 0 : index
    %get3A_256 = vector.load %arg27[%get3A_254, %get3A_255] : memref<1x64xf32, #tpu.memory_space<vmem>>, vector<1x64xf32>
    %add3A_257 = vector.broadcast %get3A_256 : vector<1x64xf32> to vector<2048x64xf32>
    %add3A_258 = arith.addf %dot_general3A_253, %add3A_257 : vector<2048x64xf32>
    %max3A_259 = arith.constant 0.000000e+00 : f32
    %max3A_260 = vector.broadcast %max3A_259 : f32 to vector<2048x64xf32>
    %max3A_261 = arith.maximumf %add3A_258, %max3A_260 : vector<2048x64xf32>
    %get3A_262 = arith.constant 0 : index
    %get3A_263 = arith.constant 0 : index
    %get3A_264 = vector.load %arg3[%get3A_262, %get3A_263] : memref<2048x32xf32, #tpu.memory_space<vmem>>, vector<2048x32xf32>
    %mul3A_265 = arith.constant 0.0666666701 : f32
    %mul3A_266 = vector.broadcast %mul3A_265 : f32 to vector<2048x32xf32>
    %mul3A_267 = arith.mulf %get3A_264, %mul3A_266 : vector<2048x32xf32>
    %get3A_268 = arith.constant 0 : index
    %get3A_269 = arith.constant 0 : index
    %get3A_270 = vector.load %arg28[%get3A_268, %get3A_269] : memref<32x64xf32, #tpu.memory_space<vmem>>, vector<32x64xf32>
    %dot_general3A_271 = arith.constant dense<0.000000e+00> : vector<2048x64xf32>
    %dot_general3A_272 = tpu.matmul %mul3A_267, %get3A_270, %dot_general3A_271 {dimension_numbers = #tpu.dot_dimension_numbers<[1], [0], [0], [1], [0, 0, 1, 1], [], []>, transpose_lhs_hint = false} : vector<2048x32xf32>, vector<32x64xf32>, vector<2048x64xf32> -> vector<2048x64xf32>
    %get3A_273 = arith.constant 0 : index
    %get3A_274 = arith.constant 0 : index
    %get3A_275 = vector.load %arg29[%get3A_273, %get3A_274] : memref<1x64xf32, #tpu.memory_space<vmem>>, vector<1x64xf32>
    %add3A_276 = vector.broadcast %get3A_275 : vector<1x64xf32> to vector<2048x64xf32>
    %add3A_277 = arith.addf %dot_general3A_272, %add3A_276 : vector<2048x64xf32>
    %max3A_278 = arith.constant 0.000000e+00 : f32
    %max3A_279 = vector.broadcast %max3A_278 : f32 to vector<2048x64xf32>
    %max3A_280 = arith.maximumf %add3A_277, %max3A_279 : vector<2048x64xf32>
    %get3A_281 = arith.constant 0 : index
    %get3A_282 = arith.constant 0 : index
    %get3A_283 = vector.load %arg30[%get3A_281, %get3A_282] : memref<192x200xf32, #tpu.memory_space<vmem>>, vector<192x200xf32>
    %slice3A_284 = vector.extract_strided_slice %get3A_283 {offsets = [0, 0], sizes = [64, 200], strides = [1, 1]} : vector<192x200xf32> to vector<64x200xf32>
    %dot_general3A_285 = arith.constant dense<0.000000e+00> : vector<2048x200xf32>
    %dot_general3A_286 = tpu.matmul %max3A_152, %slice3A_284, %dot_general3A_285 {dimension_numbers = #tpu.dot_dimension_numbers<[1], [0], [0], [1], [0, 0, 1, 1], [], []>, transpose_lhs_hint = false} : vector<2048x64xf32>, vector<64x200xf32>, vector<2048x200xf32> -> vector<2048x200xf32>
    %slice3A_287 = vector.extract_strided_slice %get3A_283 {offsets = [64, 0], sizes = [64, 200], strides = [1, 1]} : vector<192x200xf32> to vector<64x200xf32>
    %dot_general3A_288 = arith.constant dense<0.000000e+00> : vector<2048x200xf32>
    %dot_general3A_289 = tpu.matmul %max3A_261, %slice3A_287, %dot_general3A_288 {dimension_numbers = #tpu.dot_dimension_numbers<[1], [0], [0], [1], [0, 0, 1, 1], [], []>, transpose_lhs_hint = false} : vector<2048x64xf32>, vector<64x200xf32>, vector<2048x200xf32> -> vector<2048x200xf32>
    %add3A_290 = arith.addf %dot_general3A_286, %dot_general3A_289 : vector<2048x200xf32>
    %slice3A_291 = vector.extract_strided_slice %get3A_283 {offsets = [128, 0], sizes = [64, 200], strides = [1, 1]} : vector<192x200xf32> to vector<64x200xf32>
    %dot_general3A_292 = arith.constant dense<0.000000e+00> : vector<2048x200xf32>
    %dot_general3A_293 = tpu.matmul %max3A_280, %slice3A_291, %dot_general3A_292 {dimension_numbers = #tpu.dot_dimension_numbers<[1], [0], [0], [1], [0, 0, 1, 1], [], []>, transpose_lhs_hint = false} : vector<2048x64xf32>, vector<64x200xf32>, vector<2048x200xf32> -> vector<2048x200xf32>
    %add3A_294 = arith.addf %add3A_290, %dot_general3A_293 : vector<2048x200xf32>
    %get3A_295 = arith.constant 0 : index
    %get3A_296 = arith.constant 0 : index
    %get3A_297 = vector.load %arg31[%get3A_295, %get3A_296] : memref<1x200xf32, #tpu.memory_space<vmem>>, vector<1x200xf32>
    %add3A_298 = vector.broadcast %get3A_297 : vector<1x200xf32> to vector<2048x200xf32>
    %add3A_299 = arith.addf %add3A_294, %add3A_298 : vector<2048x200xf32>
    %tanh3A_300 = math.tanh %add3A_299 : vector<2048x200xf32>
    %mul3A_301 = arith.mulf %tanh3A, %tanh3A_300 : vector<2048x200xf32>
    %reduce_sum3A = arith.constant dense<0.000000e+00> : vector<2048xf32>
    %reduce_sum3A_302 = vector.multi_reduction <add>, %mul3A_301, %reduce_sum3A [1] : vector<2048x200xf32> to vector<2048xf32>
    %broadcast_in_dim3A_303 = vector.shape_cast %reduce_sum3A_302 : vector<2048xf32> to vector<2048x1xf32>
    %swap3A = arith.constant 0 : index
    %swap3A_304 = arith.constant 0 : index
    %swap3A_305 = vector.load %arg32[%swap3A, %swap3A_304] : memref<2048x1xf32, #tpu.memory_space<vmem>>, vector<2048x1xf32>
    tpu.vector_store %arg32[%swap3A, %swap3A_304], %broadcast_in_dim3A_303 {strides = array<i32>} : memref<2048x1xf32, #tpu.memory_space<vmem>>, vector<2048x1xf32>,
    return
  }
  func.func @transform_0(%arg0: i32) -> (i32, i32) {
    %c0_i32 = arith.constant 0 : i32
    %c0_i32_0 = arith.constant 0 : i32
    return %arg0, %c0_i32 : i32, i32
  }
  func.func @transform_1(%arg0: i32) -> (i32, i32) {
    %c0_i32 = arith.constant 0 : i32
    %c0_i32_0 = arith.constant 0 : i32
    return %arg0, %c0_i32 : i32, i32
  }
  func.func @transform_2(%arg0: i32) -> (i32, i32) {
    %c0_i32 = arith.constant 0 : i32
    %c0_i32_0 = arith.constant 0 : i32
    return %arg0, %c0_i32 : i32, i32
  }
  func.func @transform_3(%arg0: i32) -> (i32, i32) {
    %c0_i32 = arith.constant 0 : i32
    %c0_i32_0 = arith.constant 0 : i32
    return %arg0, %c0_i32 : i32, i32
  }
  func.func @transform_4(%arg0: i32) -> (i32, i32) {
    %c0_i32 = arith.constant 0 : i32
    %c0_i32_0 = arith.constant 0 : i32
    return %arg0, %c0_i32 : i32, i32
  }
  func.func @transform_5(%arg0: i32) -> (i32, i32) {
    %c0_i32 = arith.constant 0 : i32
    %c0_i32_0 = arith.constant 0 : i32
    return %arg0, %c0_i32 : i32, i32
  }
  func.func @transform_6(%arg0: i32) -> (i32, i32) {
    %c0_i32 = arith.constant 0 : i32
    %c0_i32_0 = arith.constant 0 : i32
    return %arg0, %c0_i32 : i32, i32
  }
  func.func @transform_7(%arg0: i32) -> (i32, i32) {
    %c0_i32 = arith.constant 0 : i32
    %c0_i32_0 = arith.constant 0 : i32
    return %arg0, %c0_i32 : i32, i32
  }
  func.func @transform_8(%arg0: i32) -> (i32, i32) {
    %c0_i32 = arith.constant 0 : i32
    %c0_i32_0 = arith.constant 0 : i32
    return %arg0, %c0_i32 : i32, i32
  }
  func.func @transform_9(%arg0: i32) -> (i32, i32) {
    %c0_i32 = arith.constant 0 : i32
    %c0_i32_0 = arith.constant 0 : i32
    %c0_i32_1 = arith.constant 0 : i32
    return %c0_i32, %c0_i32_0 : i32, i32
  }
  func.func @transform_10(%arg0: i32) -> (i32, i32) {
    %c0_i32 = arith.constant 0 : i32
    %c0_i32_0 = arith.constant 0 : i32
    %c0_i32_1 = arith.constant 0 : i32
    return %c0_i32, %c0_i32_0 : i32, i32
  }
  func.func @transform_11(%arg0: i32) -> (i32, i32) {
    %c0_i32 = arith.constant 0 : i32
    %c0_i32_0 = arith.constant 0 : i32
    %c0_i32_1 = arith.constant 0 : i32
    return %c0_i32, %c0_i32_0 : i32, i32
  }
  func.func @transform_12(%arg0: i32) -> (i32, i32) {
    %c0_i32 = arith.constant 0 : i32
    %c0_i32_0 = arith.constant 0 : i32
    %c0_i32_1 = arith.constant 0 : i32
    return %c0_i32, %c0_i32_0 : i32, i32
  }
  func.func @transform_13(%arg0: i32) -> (i32, i32) {
    %c0_i32 = arith.constant 0 : i32
    %c0_i32_0 = arith.constant 0 : i32
    %c0_i32_1 = arith.constant 0 : i32
    return %c0_i32, %c0_i32_0 : i32, i32
  }
  func.func @transform_14(%arg0: i32) -> (i32, i32) {
    %c0_i32 = arith.constant 0 : i32
    %c0_i32_0 = arith.constant 0 : i32
    %c0_i32_1 = arith.constant 0 : i32
    return %c0_i32, %c0_i32_0 : i32, i32
  }
  func.func @transform_15(%arg0: i32) -> (i32, i32) {
    %c0_i32 = arith.constant 0 : i32
    %c0_i32_0 = arith.constant 0 : i32
    %c0_i32_1 = arith.constant 0 : i32
    return %c0_i32, %c0_i32_0 : i32, i32
  }
  func.func @transform_16(%arg0: i32) -> (i32, i32) {
    %c0_i32 = arith.constant 0 : i32
    %c0_i32_0 = arith.constant 0 : i32
    %c0_i32_1 = arith.constant 0 : i32
    return %c0_i32, %c0_i32_0 : i32, i32
  }
  func.func @transform_17(%arg0: i32) -> (i32, i32) {
    %c0_i32 = arith.constant 0 : i32
    %c0_i32_0 = arith.constant 0 : i32
    %c0_i32_1 = arith.constant 0 : i32
    return %c0_i32, %c0_i32_0 : i32, i32
  }
  func.func @transform_18(%arg0: i32) -> (i32, i32) {
    %c0_i32 = arith.constant 0 : i32
    %c0_i32_0 = arith.constant 0 : i32
    %c0_i32_1 = arith.constant 0 : i32
    return %c0_i32, %c0_i32_0 : i32, i32
  }
  func.func @transform_19(%arg0: i32) -> (i32, i32) {
    %c0_i32 = arith.constant 0 : i32
    %c0_i32_0 = arith.constant 0 : i32
    %c0_i32_1 = arith.constant 0 : i32
    return %c0_i32, %c0_i32_0 : i32, i32
  }
  func.func @transform_20(%arg0: i32) -> (i32, i32) {
    %c0_i32 = arith.constant 0 : i32
    %c0_i32_0 = arith.constant 0 : i32
    %c0_i32_1 = arith.constant 0 : i32
    return %c0_i32, %c0_i32_0 : i32, i32
  }
  func.func @transform_21(%arg0: i32) -> (i32, i32) {
    %c0_i32 = arith.constant 0 : i32
    %c0_i32_0 = arith.constant 0 : i32
    %c0_i32_1 = arith.constant 0 : i32
    return %c0_i32, %c0_i32_0 : i32, i32
  }
  func.func @transform_22(%arg0: i32) -> (i32, i32) {
    %c0_i32 = arith.constant 0 : i32
    %c0_i32_0 = arith.constant 0 : i32
    %c0_i32_1 = arith.constant 0 : i32
    return %c0_i32, %c0_i32_0 : i32, i32
  }
  func.func @transform_23(%arg0: i32) -> (i32, i32) {
    %c0_i32 = arith.constant 0 : i32
    %c0_i32_0 = arith.constant 0 : i32
    %c0_i32_1 = arith.constant 0 : i32
    return %c0_i32, %c0_i32_0 : i32, i32
  }
  func.func @transform_24(%arg0: i32) -> (i32, i32) {
    %c0_i32 = arith.constant 0 : i32
    %c0_i32_0 = arith.constant 0 : i32
    %c0_i32_1 = arith.constant 0 : i32
    return %c0_i32, %c0_i32_0 : i32, i32
  }
  func.func @transform_25(%arg0: i32) -> (i32, i32) {
    %c0_i32 = arith.constant 0 : i32
    %c0_i32_0 = arith.constant 0 : i32
    %c0_i32_1 = arith.constant 0 : i32
    return %c0_i32, %c0_i32_0 : i32, i32
  }
  func.func @transform_26(%arg0: i32) -> (i32, i32) {
    %c0_i32 = arith.constant 0 : i32
    %c0_i32_0 = arith.constant 0 : i32
    %c0_i32_1 = arith.constant 0 : i32
    return %c0_i32, %c0_i32_0 : i32, i32
  }
  func.func @transform_27(%arg0: i32) -> (i32, i32) {
    %c0_i32 = arith.constant 0 : i32
    %c0_i32_0 = arith.constant 0 : i32
    %c0_i32_1 = arith.constant 0 : i32
    return %c0_i32, %c0_i32_0 : i32, i32
  }
  func.func @transform_28(%arg0: i32) -> (i32, i32) {
    %c0_i32 = arith.constant 0 : i32
    %c0_i32_0 = arith.constant 0 : i32
    %c0_i32_1 = arith.constant 0 : i32
    return %c0_i32, %c0_i32_0 : i32, i32
  }
  func.func @transform_29(%arg0: i32) -> (i32, i32) {
    %c0_i32 = arith.constant 0 : i32
    %c0_i32_0 = arith.constant 0 : i32
    %c0_i32_1 = arith.constant 0 : i32
    return %c0_i32, %c0_i32_0 : i32, i32
  }
  func.func @transform_30(%arg0: i32) -> (i32, i32) {
    %c0_i32 = arith.constant 0 : i32
    %c0_i32_0 = arith.constant 0 : i32
    %c0_i32_1 = arith.constant 0 : i32
    return %c0_i32, %c0_i32_0 : i32, i32
  }
  func.func @transform_31(%arg0: i32) -> (i32, i32) {
    %c0_i32 = arith.constant 0 : i32
    %c0_i32_0 = arith.constant 0 : i32
    return %arg0, %c0_i32 : i32, i32
  }
}

</mosaic_0001>

<sc_bundles>
// kernel: kernel.5.cloned.1.call-start
scs
__scs_entry_jumppad:
0x0: {  	(pc) =	sbr.rel $0x88, $3  }
0x1: {  	(tag) =	ssettag $0x0;
	lr =	simm.s32 $0x1  }
0x2: {  	[smem:$0x3F81] =	sst lr;
	_ =	strace $0xD0000000  }
0x3: {  	_ = 	snop  }
0x4: {  	_ = 	snop  }
0x5: {  	_ = 	snop  }
0x6: {  	_ = 	snop  }
0x7: {  	_ = 	snop  }
__scs_overlays_trampoline_lowered:
0x8: {  	[smem:$0x3F90] =	sst s0  }
0x9: {  	[smem:$0x3F91] =	sst s1  }
0xa: {  	[smem:$0x3F92] =	sst s2  }
0xb: {  	[smem:$0x3F93] =	sst s3  }
0xc: {  	[smem:$0x3F94] =	sst s4  }
0xd: {  	[smem:$0x3F95] =	sst s5  }
0xe: {  	[smem:$0x3F96] =	sst s6  }
0xf: {  	[smem:$0x3F97] =	sst s7  }
0x10: {  	[smem:$0x3F98] =	sst s8  }
0x11: {  	[smem:$0x3F99] =	sst s9;
	s0 =	simm.s32 @!p0 $0x0  }
0x12: {  	s1 =	sld [smem:$0x3F7F];
	s0 =	simm.s32 @p0 $0x1  }
0x13: {  	[smem:$0x3F9A] =	sst s0;
	s0 =	simm.s32 @!p1 $0x0  }
0x14: {  	s2 =	sld [smem:$0x3F7E];
	s0 =	simm.s32 @p1 $0x1  }
0x15: {  	[smem:$0x3F9B] =	sst s0;
	s0 =	simm.s32 @!p2 $0x0  }
0x16: {  	s3 =	sld [smem:$0x3FDB];
	s0 =	simm.s32 @p2 $0x1  }
0x17: {  	s4 =	simm.s32 $0x1BF5;
	[smem:$0x3F9D] =	sst s0  }
0x18: {  	s0 =	sld [smem:$0x3F80];
	_ =	swait.ge [sflag:s4], $0x0  }
0x19: {  	s7 =	sld [smem:$0x3F81]  }
0x1a: {  	s8 =	sadd.s32 $0xFFFFE003, lr  }
0x1b: {  	s9 =	sadd.s32 $0xFFFFFEF7, lr;
	s5 =	simm.s32 $0xFFFFFFFF;
	p2 =	slt.u32 s8, $0xFFFFF086  }
0x1c: {  	p1 =	slt.u32 s9, $0xF7A;
	s5 =	simm.s32 @!p2 $0x0  }
0x1d: {  	s5 =	simm.s32 @p1 $0x1;
	p0 =	seq.s32 s7, s2  }
0x1e: {  	s7 =	smul.u32 @!p0 $0xF7A, s2;
	p2 =	seq.s32 @!p0 s5, $0x0  }
0x1f: {  	s9 =	smul.u32 $0xF7A, s1;
	s8 =	simm.s32 @!p0 $0x1BF5;
	p2 =	por !p2, p0  }
0x20: {  	[sflag:s8] =	ssyncset.s32 @!p0 $0xFFFFF086;
	s6 =	sadd.s32 @!p0 s3, s7;
	s7 =	simm.s32 @!p0 $0x108  }
0x21: {  	s3 =	sadd.s32 s3, s9;
	s6 =	sadd.s32 @!p0 $0x88, s6;
	s7 =	simm.s32 @p2 $0x1082  }
0x22: {  	[simem:s7], [sflag:s8] =	dma.local @!p0 [hbm:s6], $0xF7A  }
0x23: {  	s9 =	sor.u32 $0xD0000000, s2;
	s6 =	simm.s32 $0x108;
	_ =	swait.ge @!p0 [sflag:s8], $0x0  }
0x24: {  	s3 =	sadd.s32 $0x88, s3;
	s6 =	simm.s32 @!p1 $0x1082;
	[sflag:s4] =	ssyncset.s32 $0xFFFFF086  }
0x25: {  	[simem:s6], [sflag:s4] =	dma.local [hbm:s3], $0xF7A  }
0x26: {  	[smem:$0x3F81] =	sst s1;
	(tag) =	ssettag s2;
	_ =	strace s9  }
0x27: {  	s1 =	sld [smem:$0x3F91]  }
0x28: {  	s2 =	sld [smem:$0x3F92]  }
0x29: {  	s4 =	sld [smem:$0x3F94]  }
0x2a: {  	p0 =	seq.s32 s5, $0x0;
	s5 =	sld [smem:$0x3F95]  }
0x2b: {  	s6 =	sld [smem:$0x3F96]  }
0x2c: {  	s7 =	sld [smem:$0x3F97]  }
0x2d: {  	s3 =	simm.s32 $0x108;
	s8 =	sld [smem:$0x3F98]  }
0x2e: {  	s3 =	simm.s32 @!p0 $0x1082;
	s9 =	sld [smem:$0x3F99]  }
0x2f: {  	lr =	sadd.s32 s0, s3;
	s0 =	sld [smem:$0x3F90]  }
0x30: {  	s3 =	sld [smem:$0x3F93]  }
0x31: {  	[smem:$0x3F9C] =	sst s10  }
0x32: {  	s10 =	sld [smem:$0x3F9A];
	_ =	sdelay $0x3  }
0x33: {  	p0 =	seq.s32 s10, $0x1;
	s10 =	sld [smem:$0x3F9C];
	_ =	sdelay $0x3  }
0x34: {  	[smem:$0x3F9C] =	sst s10  }
0x35: {  	s10 =	sld [smem:$0x3F9B];
	_ =	sdelay $0x3  }
0x36: {  	p1 =	seq.s32 s10, $0x1;
	s10 =	sld [smem:$0x3F9C];
	_ =	sdelay $0x3  }
0x37: {  	[smem:$0x3F9C] =	sst s10  }
0x38: {  	s10 =	sld [smem:$0x3F9D]  }
0x39: {  	_ = 	snop;
	(pc) =	sbr.ind lr, $3  }
0x3a: {  	_ = 	snop  }
0x3b: {  	_ = 	snop  }
0x3c: {  	p2 =	seq.s32 s10, $0x1;
	s10 =	sld [smem:$0x3F9C]  }
0x3d: {  	_ =	shalt  }
0x3e: {  	_ =	shalt  }
0x3f: {  	_ =	shalt  }
0x40: {  	_ =	shalt  }
0x41: {  	_ =	shalt  }
0x42: {  	_ =	shalt  }
0x43: {  	_ =	shalt  }
0x44: {  	_ =	shalt  }
0x45: {  	_ =	shalt  }
0x46: {  	_ =	shalt  }
0x47: {  	_ =	shalt  }
0x48: {  	_ =	shalt  }
0x49: {  	_ =	shalt  }
0x4a: {  	_ =	shalt  }
0x4b: {  	_ =	shalt  }
0x4c: {  	_ =	shalt  }
0x4d: {  	_ =	shalt  }
0x4e: {  	_ =	shalt  }
0x4f: {  	_ =	shalt  }
0x50: {  	_ =	shalt  }
0x51: {  	_ =	shalt  }
0x52: {  	_ =	shalt  }
0x53: {  	_ =	shalt  }
0x54: {  	_ =	shalt  }
0x55: {  	_ =	shalt  }
0x56: {  	_ =	shalt  }
0x57: {  	_ =	shalt  }
0x58: {  	_ =	shalt  }
0x59: {  	_ =	shalt  }
0x5a: {  	_ =	shalt  }
0x5b: {  	_ =	shalt  }
0x5c: {  	_ =	shalt  }
0x5d: {  	_ =	shalt  }
0x5e: {  	_ =	shalt  }
0x5f: {  	_ =	shalt  }
0x60: {  	_ =	shalt  }
0x61: {  	_ =	shalt  }
0x62: {  	_ =	shalt  }
0x63: {  	_ =	shalt  }
0x64: {  	_ =	shalt  }
0x65: {  	_ =	shalt  }
0x66: {  	_ =	shalt  }
0x67: {  	_ =	shalt  }
0x68: {  	_ =	shalt  }
0x69: {  	_ =	shalt  }
0x6a: {  	_ =	shalt  }
0x6b: {  	_ =	shalt  }
0x6c: {  	_ =	shalt  }
0x6d: {  	_ =	shalt  }
0x6e: {  	_ =	shalt  }
0x6f: {  	_ =	shalt  }
0x70: {  	_ =	shalt  }
0x71: {  	_ =	shalt  }
0x72: {  	_ =	shalt  }
0x73: {  	_ =	shalt  }
0x74: {  	_ =	shalt  }
0x75: {  	_ =	shalt  }
0x76: {  	_ =	shalt  }
0x77: {  	_ =	shalt  }
0x78: {  	_ =	shalt  }
0x79: {  	_ =	shalt  }
0x7a: {  	_ =	shalt  }
0x7b: {  	_ =	shalt  }
0x7c: {  	_ =	shalt  }
0x7d: {  	_ =	shalt  }
0x7e: {  	_ =	shalt  }
0x7f: {  	_ =	shalt  }
0x80: {  	_ =	shalt  }
0x81: {  	_ =	shalt  }
0x82: {  	_ =	shalt  }
0x83: {  	_ =	shalt  }
0x84: {  	_ =	shalt  }
0x85: {  	_ =	shalt  }
0x86: {  	_ =	shalt  }
0x87: {  	_ =	shalt  }
.Lfunc_end0:
.L_simem_size_0:
called_computation_lowered:
.L_overlay_start_0:
0x88: {  	s2 =	sld [smem:$0x3FD9]  }
0x89: {  	s3 =	sld [smem:$0x3FFE];
	_ =	sdelay $0x1  }
0x8a: {  	s1 =	srdreg.scid  }
0x8b: {  	s0 =	sand.u32 $0x1, s1  }
0x8c: {  	s17 =	sshll.u32 s0, $0xA;
	s2 =	sadd.s32 s3, s2  }
0x8d: {  	s2 =	sadd.s32 s2, s17  }
0x8e: {  	[smem:$0x3FA8] =	sst s2  }
0x8f: {  	_ = 	snop  }
0x90: {  	s18 =	sld [smem:$0x3FC9]  }
0x91: {  	s4 =	sld [smem:$0x3FC5];
	(tm) =	ssettm $0x1  }
0x92: {  	s19 =	sld [smem:$0x3FFB];
	_ =	sdelay $0x3  }
0x93: {  	_ =	strace s19  }
0x94: {  	s2 =	sld [smem:$0x3FFC];
	_ =	sdelay $0x3  }
0x95: {  	_ =	strace s2  }
0x96: {  	s2 =	sld [smem:$0x3FFD];
	_ =	sdelay $0x3  }
0x97: {  	_ =	strace s2  }
0x98: {  	_ =	strace $0x8FFFFFFF  }
0x99: {  	s20 =	sld [smem:$0x3FDB];
	_ =	sdelay $0x1  }
0x9a: {  	s5 =	simm.s32 $_scs_section_size  }
0x9b: {  	s6 =	simm.s32 $_size__tile_overlayer_lowered;
	s7 =	simm.s32 $_tile_overlayer_lowered  }
0x9c: {  	s8 =	simm.s32 $0x1BFF;
	s21 =	sshll.u32 s7, $0x1;
	s5 =	sadd.s32 s5, s20  }
0x9d: {  	s22 =	simm.s32 $0x0;
	s6 =	sshll.u32 s6, $0x1;
	s7 =	sadd.s32 s21, s5  }
0x9e: {  	[timem:s22], [sflag:s8] =	dma.local [hbm:s7], s6  }
0x9f: {  	_ =	swait.ge [sflag:s8], s6  }
0xa0: {  	s6 =	ssub.s32 $0x0, s6;
	[sflag:s8] =	ssyncset.done $0x0  }
0xa1: {  	[sflag:s8] =	ssyncadd.s32 s6;
	_ =	sdelay $0x1  }
0xa2: {  	s23 =	simm.s32 $0x1B8B  }
0xa3: {  	_ =	swait.ge [sflag:s23], $0x1  }
0xa4: {  	[sflag:s23] =	ssyncset.done $0x0  }
0xa5: {  	[sflag:s23] =	ssyncadd.s32 $0xFFFFFFFF  }
0xa6: {  	s6 =	sld [smem:$0x0]  }
0xa7: {  	s7 =	sand.u32 $0xFFFFFFFE, s1  }
0xa8: {  	p0 =	sne.s32 s1, s7  }
0xa9: {  	s7 =	sshll.u32 @p0 s7, $0xE  }
0xaa: {  	s7 =	sadd.s32 @p0 $0x11B8D, s7;
	s8 =	sshll.u32 @p0 s6, $0x11  }
0xab: {  	s7 =	sor.u32 @p0 s8, s7  }
0xac: {  	[sflag:s7] =	ssyncadd.remote.s32 @p0 $0x1;
	_ =	sdelay $0x1  }
0xad: {  	s7 =	simm.s32 @p0 $0x1B8D  }
0xae: {  	_ =	swait.eq @p0 [sflag:s7], $0x1  }
0xaf: {  	[sflag:s7] =	ssyncadd.s32 @p0 $0xFFFFFFFF  }
0xb0: {  	s8 =	sshll.u32 @!p0 s1, $0xE  }
0xb1: {  	s8 =	sor.u32 @!p0 $0x4000, s8;
	s7 =	simm.s32 @!p0 $0x1B8D  }
0xb2: {  	s6 =	sshll.u32 @!p0 s6, $0x11;
	s8 =	sadd.s32 @!p0 $0x11B8D, s8;
	_ =	swait.eq @!p0 [sflag:s7], $0x1  }
0xb3: {  	s6 =	sor.u32 @!p0 s6, s8;
	[sflag:s7] =	ssyncadd.s32 @!p0 $0xFFFFFFFF  }
0xb4: {  	s25 =	simm.s32 $0x1B8E;
	s24 =	sld [smem:$0x3FFE];
	[sflag:s6] =	ssyncadd.remote.s32 @!p0 $0x1  }
0xb5: {  	s26 =	simm.s32 $execute0_lowered;
	[smem:$0x3FD2] =	sst s25  }
0xb6: {  	s7 =	sshll.u32 s26, $0x1;
	_ =	strace $0x80000049;
	[dreg:$0x1] =	wrdreg $0xFFFFFFFF  }
0xb7: {  	s28 =	simm.s32 $_size_execute0_lowered;
	s5 =	sadd.s32 s5, s7;
	[dreg:$0x0] =	wrdreg $0x0  }
0xb8: {  	s7 =	sshll.u32 s28, $0x1;
	[dreg:$0x2] =	wrdreg s5  }
0xb9: {  	[dreg:$0x3] =	wrdreg s7  }
0xba: {  	[dreg:$0x4] =	wrdreg $0xC0  }
0xbb: {  	_ =	task [dreg:s22], $0x5FFFF  }
0xbc: {  	[dreg:$0x1] =	wrdreg $0xFFFFFFFF  }
0xbd: {  	[dreg:$0x0] =	wrdreg $0x60  }
0xbe: {  	[dreg:$0x2] =	wrdreg s18  }
0xbf: {  	[dreg:$0x3] =	wrdreg s4  }
0xc0: {  	[dreg:$0x4] =	wrdreg s24  }
0xc1: {  	[dreg:$0x5] =	wrdreg $0x9  }
0xc2: {  	_ =	task.clear_ibuf [dreg:s22], $0x6FFFF;
	_ =	strace $0x90000049  }
0xc3: {  	s29 =	simm.s32 $0x9;
	_ =	strace $0x8000004B  }
0xc4: {  	_ =	swait.ge [sflag:s29], $0x1  }
0xc5: {  	[sflag:s29] =	ssyncadd.s32 $0xFFFFFFFF  }
0xc6: {  	_ =	strace $0x9000004B  }
0xc7: {  	_ =	sfence  }
0xc8: {  	s30 =	sld [smem:$0x0];
	_ =	sdelay $0x2  }
0xc9: {  	s31 =	sshll.u32 s1, $0xD;
	s1 =	sshrl.u32 s1, $0x2  }
0xca: {  	s4 =	sand.u32 $0x4000, s31;
	s1 =	sadd.s32 s1, s30  }
0xcb: {  	s0 =	sor.u32 s4, s0;
	s1 =	sshll.u32 s1, $0x11  }
0xcc: {  	s0 =	sor.u32 s1, s0  }
0xcd: {  	s0 =	sadd.s32 $0x8F2B, s0  }
0xce: {  	[sflag:s0] =	ssyncadd.remote.s32 $0x1  }
0xcf: {  	_ =	sfence.sel $0xFFFF  }
0xd0: {  	[dreg:$0x0] =	wrdreg $0xFFFFFFFF;
	(pc) =	sbr.abs _section_cstart, $3  }
0xd1: {  	[dreg:$0x1] =	wrdreg $0xFFFFFFFF  }
0xd2: {  	_ =	task.clear_ibuf [dreg:s22], $0x2FFFF;
	_ =	strace $0x9FFFFFFF  }
0xd3: {  	(tm) =	ssettm $0x7FFFFFFF  }
tec
execute0_lowered:
.L_overlay_start_1:
0x0: {  	(tag) =	ssettag $0x1  }
0x1: {  	s5 =	rddreg [dreg:$0x0]  }
0x2: {  	s6 =	rddreg [dreg:$0x1]  }
0x3: {  	s7 =	rddreg [dreg:$0x2]  }
0x4: {  	s0 =	rddreg [dreg:$0x3]  }
0x5: {  	s1 =	simm.s32 $0x0;
	s8 =	srdreg.scid;
	s2 =	stileid.u32  }
0x6: {  	s14 =	simm.s32 $0x10400;
	s15 =	simm.s32 $0x10500;
	s16 =	simm.s32 $0x8000  }
0x7: {  	s17 =	simm.s32 $0x1;
	s18 =	simm.s32 $0x10000;
	s19 =	simm.s32 $0x2  }
0x8: {  	s20 =	simm.s32 $0x10100;
	s21 =	simm.s32 $0x0;
	[smem:$0x7FF] =	sst s1  }
0x9: {  	s3 =	sadd.s32 $0xF8FA00, s7;
	s4 =	sadd.s32 $0x1D4000, s7;
	s8 =	sand.u32 $0x1, s8  }
0xa: {  	s11 =	sshll.u32 s2, $0xA;
	s10 =	ssub.s32 $0x2, s8;
	s8 =	sshll.u32 s8, $0x9  }
0xb: {  	s9 =	sadd.s32 $0x4D600, s7;
	s12 =	sadd.s32 $0x8D600, s7;
	s8 =	sor.u32 s8, s11  }
0xc: {  	_ =	strace $0x8000004A;
	s28 =	sshrl.u32 s10, $0x1;
	s30 =	sshrl.u32 s8, $0x3  }
0xd: {  	s29 =	ssub.s32 s10, s28;
	s31 =	sshll.u32 s8, $0x4;
	s5 =	sadd.s32 s5, s30  }
0xe: {  	s6 =	sadd.s32 s6, s30;
	s13 =	sor.u32 $0x1000, s31;
	s7 =	sadd.s32 s9, s31  }
0xf: {  	s11 =	smax.u32 s29, $0x1;
	s8 =	sadd.s32 s9, s13;
	s9 =	sadd.s32 s12, s31  }
0x10: {  	s10 =	sadd.s32 s12, s13;
	s12 =	simm.s32 $0x3;
	s13 =	simm.s32 $0x100  }
.LBB2_1:
0x11: {  	s22 =	simm.s32 $0x10600  }
0x12: {  	[tilespmem:s22], [sflag:$0x3] =	stream.linear.gather [hbm4b:s5+s1], $0x200, $0x38;
	[tilespmem:$0x10800] =	vst v63  }
0x13: {  	_ =	swait.ge [sflag:s12], $0x200  }
0x14: {  	[sflag:s12] =	ssyncset.done $0x0  }
0x15: {  	s23 =	simm.s32 $0x10200;
	[sflag:s12] =	ssyncadd.s32 $0xFFFFFE00  }
0x16: {  	[tilespmem:s23], [sflag:$0x3] =	stream.linear.gather [hbm4b:s6+s1], $0x200, $0x38;
	[tilespmem:$0x10800] =	vst v63  }
0x17: {  	_ =	swait.ge [sflag:s12], $0x200  }
0x18: {  	[sflag:s12] =	ssyncset.done $0x0  }
0x19: {  	[sflag:s12] =	ssyncadd.s32 $0xFFFFFE00  }
0x1a: {  	v0 =	vld [tilespmem:s22+$0x0]  }
0x1b: {  	v1 =	vld [tilespmem:s23+$0x0];
	_ =	sdelay $0x2  }
0x1c: {  	p0 =	por $0x0, $0x0  }
0x1d: {  	s23 =	sand.u32 @p0 $0xF0, s1;
	v2 =	vshrl.u32 v0, $0x1  }
0x1e: {  	v0 =	vshrl.u32 v1, $0x1;
	[tilespmem:s23+$0x10500] =	vst @p0 v2  }
0x1f: {  	s24 =	simm.s32 $0x10610;
	s26 =	simm.s32 $0x10210;
	s25 =	simm.s32 $0x10000;
	[tilespmem:s23+$0x10100] =	vst @p0 v0  }
0x20: {  	s28 =	simm.s32 $0x0;
	s22 =	simm.s32 $0x1;
	s23 =	simm.s32 $0x10410;
	[tilespmem:s14+$0x0] =	vst @!p0 v2  }
.LBB2_2:
0x21: {  	s28 =	sadd.s32 $0x10, s28  }
0x22: {  	[tilespmem:s25+$0x0] =	vst @!p0 v0;
	s25 =	sadd.s32 $0x10, s25;
	s29 =	smov.u32 s22;
	s22 =	sadd.s32 $0x1, s22  }
0x23: {  	v0 =	vld [tilespmem:s24+$0x0];
	p1 =	sne.s32 s22, $0x20  }
0x24: {  	v1 =	vld [tilespmem:s26+$0x0];
	_ =	sdelay $0x2  }
.Ltmp0:
0x25: {  	p0 =	sgt.u32 s29, $0xF;
	(pc) =	sbr.rel @p1 .LBB2_2-.Ltmp0, $4  }
0x26: {  	s29 =	sand.u32 @p0 $0xF0, s28;
	v2 =	vshrl.u32 v0, $0x1  }
0x27: {  	v0 =	vshrl.u32 v1, $0x1;
	[tilespmem:s29+$0x10500] =	vst @p0 v2  }
0x28: {  	[tilespmem:s29+$0x10100] =	vst @p0 v0  }
0x29: {  	s24 =	sadd.s32 $0x10, s24;
	s26 =	sadd.s32 $0x10, s26;
	[tilespmem:s23+$0x0] =	vst @!p0 v2;
	s23 =	sadd.s32 $0x10, s23  }
0x2a: {  	[tilespmem:s25+$0x0] =	vst @!p0 v0  }
0x2b: {  	[tilespmem:s1], [sflag:$0x1] =	stream.indirect.gather [hbm4b:s3+s13], $0x80, s14, s13, $0xb8;
	[tilespmem:$0x10800] =	vst v63  }
0x2c: {  	_ = 	snop  }
0x2d: {  	[tilespmem:s16], [sflag:$0x2] =	stream.indirect.gather [hbm4b:s3+s13], $0x80, s15, s13, $0xb8;
	[tilespmem:$0x10800] =	vst v63  }
0x2e: {  	_ =	swait.ge [sflag:s17], $0x8000  }
0x2f: {  	[sflag:s17] =	ssyncset.done $0x0  }
0x30: {  	[sflag:s17] =	ssyncadd.s32 $0xFFFF8000  }
0x31: {  	[hbm4b:s7+s1] =	stream.linear.scatter [tilespmem:s1], [sflag:$0x3], $0x8000, $0x38;
	[tilespmem:$0x10800] =	vst v63  }
0x32: {  	_ =	swait.ge [sflag:s12], $0x8000  }
0x33: {  	[sflag:s12] =	ssyncset.done $0x0  }
0x34: {  	[sflag:s12] =	ssyncadd.s32 $0xFFFF8000  }
0x35: {  	[tilespmem:s1], [sflag:$0x1] =	stream.indirect.gather [hbm4b:s4+s13], $0x80, s18, s13, $0xb8;
	[tilespmem:$0x10800] =	vst v63  }
0x36: {  	_ =	swait.ge [sflag:s19], $0x8000  }
0x37: {  	[sflag:s19] =	ssyncset.done $0x0  }
0x38: {  	[sflag:s19] =	ssyncadd.s32 $0xFFFF8000  }
0x39: {  	[hbm4b:s8+s1] =	stream.linear.scatter [tilespmem:s16], [sflag:$0x3], $0x8000, $0x38;
	[tilespmem:$0x10800] =	vst v63  }
0x3a: {  	_ =	swait.ge [sflag:s12], $0x8000  }
0x3b: {  	[sflag:s12] =	ssyncset.done $0x0  }
0x3c: {  	[sflag:s12] =	ssyncadd.s32 $0xFFFF8000  }
0x3d: {  	[tilespmem:s16], [sflag:$0x2] =	stream.indirect.gather [hbm4b:s4+s13], $0x80, s20, s13, $0xb8;
	[tilespmem:$0x10800] =	vst v63  }
0x3e: {  	_ =	swait.ge [sflag:s17], $0x8000  }
0x3f: {  	[sflag:s17] =	ssyncset.done $0x0  }
0x40: {  	[sflag:s17] =	ssyncadd.s32 $0xFFFF8000  }
0x41: {  	[hbm4b:s9+s1] =	stream.linear.scatter [tilespmem:s1], [sflag:$0x3], $0x8000, $0x38;
	[tilespmem:$0x10800] =	vst v63  }
0x42: {  	_ =	swait.ge [sflag:s12], $0x8000  }
0x43: {  	[sflag:s12] =	ssyncset.done $0x0  }
0x44: {  	[sflag:s12] =	ssyncadd.s32 $0xFFFF8000  }
0x45: {  	s21 =	sadd.s32 $0x1, s21;
	_ =	swait.ge [sflag:s19], $0x8000  }
0x46: {  	p0 =	sne.s32 s21, s11;
	[sflag:s19] =	ssyncset.done $0x0  }
.Ltmp1:
0x47: {  	[sflag:s19] =	ssyncadd.s32 $0xFFFF8000;
	(pc) =	sbr.rel @p0 .LBB2_1-.Ltmp1, $4  }
0x48: {  	[hbm4b:s10+s1] =	stream.linear.scatter [tilespmem:s16], [sflag:$0x3], $0x8000, $0x38;
	[tilespmem:$0x10800] =	vst v63  }
0x49: {  	_ =	swait.ge [sflag:s12], $0x8000  }
0x4a: {  	[sflag:s12] =	ssyncset.done $0x0  }
0x4b: {  	[sflag:s12] =	ssyncadd.s32 $0xFFFF8000  }
0x4c: {  	_ =	sfence.sel $0x180000  }
0x4d: {  	[bflag:$0x0] =	sbarrier.arrive $0xFFFF  }
0x4e: {  	p0 =	sne.s32 s2, $0x0;
	_ =	strace $0x9000004A  }
0x4f: {  	s0 =	sadd.s32 @!p0 $0x100000, s0;
	[bflag:$0x2] =	sbarrier.arrive $0xFFFF  }
0x50: {  	[sflag:s0] =	ssyncadd.tile.s32 @!p0 $0x1;
	_ =	shalt  }
.Lfunc_end2:
_tile_overlayer_lowered:
.L_overlay_start_2:
0x51: {  	(tag) =	ssettag $0x2  }
0x52: {  	s0 =	rddreg [dreg:$0x0];
	s2 =	stileid.u32  }
0x53: {  	s1 =	rddreg [dreg:$0x1];
	p0 =	sne.s32 s2, $0x0  }
0x54: {  	s3 =	rddreg [dreg:$0x2];
	[bflag:$0x3] =	sbarrier.arrive $0xFFFF;
	s2 =	simm.s32 @!p0 $0x1C03  }
0x55: {  	[timem:s3], [sflag:s2] =	dma.local @!p0 [hbm:s0], s1  }
0x56: {  	s0 =	simm.s32 @!p0 $0x3  }
0x57: {  	_ =	swait.ge @!p0 [sflag:s0], s1  }
0x58: {  	s1 =	ssub.s32 @!p0 $0x0, s1;
	[sflag:s0] =	ssyncset.done @!p0 $0x0  }
0x59: {  	[sflag:s0] =	ssyncadd.s32 @!p0 s1  }
0x5a: {  	[bflag:$0x3] =	sbarrier.arrive $0xFFFF  }
0x5b: {  	_ =	shalt  }

// kernel: kernel.8.cloned.1.call-start
scs
__scs_entry_jumppad:
0x0: {  	(pc) =	sbr.rel $0x88, $3  }
0x1: {  	(tag) =	ssettag $0x0;
	lr =	simm.s32 $0x1  }
0x2: {  	[smem:$0x3F81] =	sst lr;
	_ =	strace $0xD0000000  }
0x3: {  	_ = 	snop  }
0x4: {  	_ = 	snop  }
0x5: {  	_ = 	snop  }
0x6: {  	_ = 	snop  }
0x7: {  	_ = 	snop  }
__scs_overlays_trampoline_lowered:
0x8: {  	[smem:$0x3F90] =	sst s0  }
0x9: {  	[smem:$0x3F91] =	sst s1  }
0xa: {  	[smem:$0x3F92] =	sst s2  }
0xb: {  	[smem:$0x3F93] =	sst s3  }
0xc: {  	[smem:$0x3F94] =	sst s4  }
0xd: {  	[smem:$0x3F95] =	sst s5  }
0xe: {  	[smem:$0x3F96] =	sst s6  }
0xf: {  	[smem:$0x3F97] =	sst s7  }
0x10: {  	[smem:$0x3F98] =	sst s8  }
0x11: {  	[smem:$0x3F99] =	sst s9;
	s0 =	simm.s32 @!p0 $0x0  }
0x12: {  	s1 =	sld [smem:$0x3F7F];
	s0 =	simm.s32 @p0 $0x1  }
0x13: {  	[smem:$0x3F9A] =	sst s0;
	s0 =	simm.s32 @!p1 $0x0  }
0x14: {  	s2 =	sld [smem:$0x3F7E];
	s0 =	simm.s32 @p1 $0x1  }
0x15: {  	[smem:$0x3F9B] =	sst s0;
	s0 =	simm.s32 @!p2 $0x0  }
0x16: {  	s3 =	sld [smem:$0x3FDB];
	s0 =	simm.s32 @p2 $0x1  }
0x17: {  	s4 =	simm.s32 $0x1BF5;
	[smem:$0x3F9D] =	sst s0  }
0x18: {  	s0 =	sld [smem:$0x3F80];
	_ =	swait.ge [sflag:s4], $0x0  }
0x19: {  	s7 =	sld [smem:$0x3F81]  }
0x1a: {  	s8 =	sadd.s32 $0xFFFFE003, lr  }
0x1b: {  	s9 =	sadd.s32 $0xFFFFFEF7, lr;
	s5 =	simm.s32 $0xFFFFFFFF;
	p2 =	slt.u32 s8, $0xFFFFF086  }
0x1c: {  	p1 =	slt.u32 s9, $0xF7A;
	s5 =	simm.s32 @!p2 $0x0  }
0x1d: {  	s5 =	simm.s32 @p1 $0x1;
	p0 =	seq.s32 s7, s2  }
0x1e: {  	s7 =	smul.u32 @!p0 $0xF7A, s2;
	p2 =	seq.s32 @!p0 s5, $0x0  }
0x1f: {  	s9 =	smul.u32 $0xF7A, s1;
	s8 =	simm.s32 @!p0 $0x1BF5;
	p2 =	por !p2, p0  }
0x20: {  	[sflag:s8] =	ssyncset.s32 @!p0 $0xFFFFF086;
	s6 =	sadd.s32 @!p0 s3, s7;
	s7 =	simm.s32 @!p0 $0x108  }
0x21: {  	s3 =	sadd.s32 s3, s9;
	s6 =	sadd.s32 @!p0 $0x88, s6;
	s7 =	simm.s32 @p2 $0x1082  }
0x22: {  	[simem:s7], [sflag:s8] =	dma.local @!p0 [hbm:s6], $0xF7A  }
0x23: {  	s9 =	sor.u32 $0xD0000000, s2;
	s6 =	simm.s32 $0x108;
	_ =	swait.ge @!p0 [sflag:s8], $0x0  }
0x24: {  	s3 =	sadd.s32 $0x88, s3;
	s6 =	simm.s32 @!p1 $0x1082;
	[sflag:s4] =	ssyncset.s32 $0xFFFFF086  }
0x25: {  	[simem:s6], [sflag:s4] =	dma.local [hbm:s3], $0xF7A  }
0x26: {  	[smem:$0x3F81] =	sst s1;
	(tag) =	ssettag s2;
	_ =	strace s9  }
0x27: {  	s1 =	sld [smem:$0x3F91]  }
0x28: {  	s2 =	sld [smem:$0x3F92]  }
0x29: {  	s4 =	sld [smem:$0x3F94]  }
0x2a: {  	p0 =	seq.s32 s5, $0x0;
	s5 =	sld [smem:$0x3F95]  }
0x2b: {  	s6 =	sld [smem:$0x3F96]  }
0x2c: {  	s7 =	sld [smem:$0x3F97]  }
0x2d: {  	s3 =	simm.s32 $0x108;
	s8 =	sld [smem:$0x3F98]  }
0x2e: {  	s3 =	simm.s32 @!p0 $0x1082;
	s9 =	sld [smem:$0x3F99]  }
0x2f: {  	lr =	sadd.s32 s0, s3;
	s0 =	sld [smem:$0x3F90]  }
0x30: {  	s3 =	sld [smem:$0x3F93]  }
0x31: {  	[smem:$0x3F9C] =	sst s10  }
0x32: {  	s10 =	sld [smem:$0x3F9A];
	_ =	sdelay $0x3  }
0x33: {  	p0 =	seq.s32 s10, $0x1;
	s10 =	sld [smem:$0x3F9C];
	_ =	sdelay $0x3  }
0x34: {  	[smem:$0x3F9C] =	sst s10  }
0x35: {  	s10 =	sld [smem:$0x3F9B];
	_ =	sdelay $0x3  }
0x36: {  	p1 =	seq.s32 s10, $0x1;
	s10 =	sld [smem:$0x3F9C];
	_ =	sdelay $0x3  }
0x37: {  	[smem:$0x3F9C] =	sst s10  }
0x38: {  	s10 =	sld [smem:$0x3F9D]  }
0x39: {  	_ = 	snop;
	(pc) =	sbr.ind lr, $3  }
0x3a: {  	_ = 	snop  }
0x3b: {  	_ = 	snop  }
0x3c: {  	p2 =	seq.s32 s10, $0x1;
	s10 =	sld [smem:$0x3F9C]  }
0x3d: {  	_ =	shalt  }
0x3e: {  	_ =	shalt  }
0x3f: {  	_ =	shalt  }
0x40: {  	_ =	shalt  }
0x41: {  	_ =	shalt  }
0x42: {  	_ =	shalt  }
0x43: {  	_ =	shalt  }
0x44: {  	_ =	shalt  }
0x45: {  	_ =	shalt  }
0x46: {  	_ =	shalt  }
0x47: {  	_ =	shalt  }
0x48: {  	_ =	shalt  }
0x49: {  	_ =	shalt  }
0x4a: {  	_ =	shalt  }
0x4b: {  	_ =	shalt  }
0x4c: {  	_ =	shalt  }
0x4d: {  	_ =	shalt  }
0x4e: {  	_ =	shalt  }
0x4f: {  	_ =	shalt  }
0x50: {  	_ =	shalt  }
0x51: {  	_ =	shalt  }
0x52: {  	_ =	shalt  }
0x53: {  	_ =	shalt  }
0x54: {  	_ =	shalt  }
0x55: {  	_ =	shalt  }
0x56: {  	_ =	shalt  }
0x57: {  	_ =	shalt  }
0x58: {  	_ =	shalt  }
0x59: {  	_ =	shalt  }
0x5a: {  	_ =	shalt  }
0x5b: {  	_ =	shalt  }
0x5c: {  	_ =	shalt  }
0x5d: {  	_ =	shalt  }
0x5e: {  	_ =	shalt  }
0x5f: {  	_ =	shalt  }
0x60: {  	_ =	shalt  }
0x61: {  	_ =	shalt  }
0x62: {  	_ =	shalt  }
0x63: {  	_ =	shalt  }
0x64: {  	_ =	shalt  }
0x65: {  	_ =	shalt  }
0x66: {  	_ =	shalt  }
0x67: {  	_ =	shalt  }
0x68: {  	_ =	shalt  }
0x69: {  	_ =	shalt  }
0x6a: {  	_ =	shalt  }
0x6b: {  	_ =	shalt  }
0x6c: {  	_ =	shalt  }
0x6d: {  	_ =	shalt  }
0x6e: {  	_ =	shalt  }
0x6f: {  	_ =	shalt  }
0x70: {  	_ =	shalt  }
0x71: {  	_ =	shalt  }
0x72: {  	_ =	shalt  }
0x73: {  	_ =	shalt  }
0x74: {  	_ =	shalt  }
0x75: {  	_ =	shalt  }
0x76: {  	_ =	shalt  }
0x77: {  	_ =	shalt  }
0x78: {  	_ =	shalt  }
0x79: {  	_ =	shalt  }
0x7a: {  	_ =	shalt  }
0x7b: {  	_ =	shalt  }
0x7c: {  	_ =	shalt  }
0x7d: {  	_ =	shalt  }
0x7e: {  	_ =	shalt  }
0x7f: {  	_ =	shalt  }
0x80: {  	_ =	shalt  }
0x81: {  	_ =	shalt  }
0x82: {  	_ =	shalt  }
0x83: {  	_ =	shalt  }
0x84: {  	_ =	shalt  }
0x85: {  	_ =	shalt  }
0x86: {  	_ =	shalt  }
0x87: {  	_ =	shalt  }
.Lfunc_end0:
.L_simem_size_0:
called_computation.1_lowered:
.L_overlay_start_0:
0x88: {  	s2 =	sld [smem:$0x3FD9]  }
0x89: {  	s3 =	sld [smem:$0x3FFE];
	_ =	sdelay $0x1  }
0x8a: {  	s1 =	srdreg.scid  }
0x8b: {  	s0 =	sand.u32 $0x1, s1  }
0x8c: {  	s16 =	sshll.u32 s0, $0xA;
	s2 =	sadd.s32 s3, s2  }
0x8d: {  	s2 =	sadd.s32 s2, s16  }
0x8e: {  	[smem:$0x3FA8] =	sst s2  }
0x8f: {  	_ = 	snop  }
0x90: {  	(tm) =	ssettm $0x1  }
0x91: {  	s17 =	sld [smem:$0x3FFB];
	_ =	sdelay $0x3  }
0x92: {  	_ =	strace s17  }
0x93: {  	s2 =	sld [smem:$0x3FFC];
	_ =	sdelay $0x3  }
0x94: {  	_ =	strace s2  }
0x95: {  	s2 =	sld [smem:$0x3FFD];
	_ =	sdelay $0x3  }
0x96: {  	_ =	strace s2  }
0x97: {  	_ =	strace $0x8FFFFFFF  }
0x98: {  	s18 =	sld [smem:$0x3FDB];
	_ =	sdelay $0x1  }
0x99: {  	s19 =	simm.s32 $_scs_section_size  }
0x9a: {  	s4 =	simm.s32 $_size__tile_overlayer_lowered;
	s5 =	simm.s32 $_tile_overlayer_lowered  }
0x9b: {  	s22 =	simm.s32 $0x1BFF;
	s21 =	sshll.u32 s5, $0x1;
	s2 =	sadd.s32 s19, s18  }
0x9c: {  	s6 =	simm.s32 $0x0;
	s20 =	sshll.u32 s4, $0x1;
	s4 =	sadd.s32 s21, s2  }
0x9d: {  	[timem:s6], [sflag:s22] =	dma.local [hbm:s4], s20  }
0x9e: {  	_ =	swait.ge [sflag:s22], s20  }
0x9f: {  	s3 =	ssub.s32 $0x0, s20;
	[sflag:s22] =	ssyncset.done $0x0  }
0xa0: {  	[sflag:s22] =	ssyncadd.s32 s3;
	_ =	sdelay $0x1  }
0xa1: {  	s23 =	simm.s32 $0x1B8B  }
0xa2: {  	_ =	swait.ge [sflag:s23], $0x1  }
0xa3: {  	[sflag:s23] =	ssyncset.done $0x0  }
0xa4: {  	s25 =	simm.s32 $0x1B8E;
	s24 =	sld [smem:$0x3FFE];
	[sflag:s23] =	ssyncadd.s32 $0xFFFFFFFF  }
0xa5: {  	s26 =	simm.s32 $execute0_lowered;
	[smem:$0x3FD2] =	sst s25  }
0xa6: {  	s4 =	sshll.u32 s26, $0x1;
	_ =	strace $0x80000046;
	[dreg:$0x1] =	wrdreg $0xFFFFFFFF  }
0xa7: {  	s28 =	simm.s32 $_size_execute0_lowered;
	s2 =	sadd.s32 s2, s4;
	[dreg:$0x0] =	wrdreg $0x0  }
0xa8: {  	s4 =	sshll.u32 s28, $0x1;
	[dreg:$0x2] =	wrdreg s2  }
0xa9: {  	[dreg:$0x3] =	wrdreg s4  }
0xaa: {  	[dreg:$0x4] =	wrdreg $0xC0  }
0xab: {  	_ =	task [dreg:s6], $0x5FFFF  }
0xac: {  	[dreg:$0x1] =	wrdreg $0xFFFFFFFF  }
0xad: {  	[dreg:$0x0] =	wrdreg $0x60  }
0xae: {  	[dreg:$0x2] =	wrdreg s24  }
0xaf: {  	[dreg:$0x3] =	wrdreg $0xA  }
0xb0: {  	_ =	task.clear_ibuf [dreg:s6], $0x4FFFF;
	_ =	strace $0x90000046  }
0xb1: {  	s29 =	simm.s32 $0xA;
	_ =	strace $0x80000048  }
0xb2: {  	_ =	swait.ge [sflag:s29], $0x1  }
0xb3: {  	[sflag:s29] =	ssyncadd.s32 $0xFFFFFFFF  }
0xb4: {  	_ =	strace $0x90000048  }
0xb5: {  	_ =	sfence  }
0xb6: {  	s30 =	sld [smem:$0x0];
	_ =	sdelay $0x2  }
0xb7: {  	s31 =	sshll.u32 s1, $0xD;
	s1 =	sshrl.u32 s1, $0x2  }
0xb8: {  	s3 =	sand.u32 $0x4000, s31;
	s1 =	sadd.s32 s1, s30  }
0xb9: {  	s0 =	sor.u32 s3, s0;
	s1 =	sshll.u32 s1, $0x11  }
0xba: {  	s0 =	sor.u32 s1, s0  }
0xbb: {  	s0 =	sadd.s32 $0x8F2B, s0  }
0xbc: {  	[sflag:s0] =	ssyncadd.remote.s32 $0x1  }
0xbd: {  	_ =	sfence.sel $0xFFFF  }
0xbe: {  	[dreg:$0x0] =	wrdreg $0xFFFFFFFF;
	(pc) =	sbr.abs _section_cstart, $3  }
0xbf: {  	[dreg:$0x1] =	wrdreg $0xFFFFFFFF  }
0xc0: {  	_ =	task.clear_ibuf [dreg:s6], $0x2FFFF;
	_ =	strace $0x9FFFFFFF  }
0xc1: {  	(tm) =	ssettm $0x7FFFFFFF  }
tec
execute0_lowered:
.L_overlay_start_1:
0x0: {  	(tag) =	ssettag $0x1  }
0x1: {  	s0 =	rddreg [dreg:$0x0]  }
0x2: {  	s1 =	srdreg.scid;
	s3 =	stileid.u32;
	s2 =	simm.s32 $0x0  }
0x3: {  	s7 =	simm.s32 $0xDE00;
	s8 =	simm.s32 $0x4;
	s9 =	simm.s32 $0x200  }
0x4: {  	s12 =	simm.s32 $0x8000;
	s13 =	simm.s32 $0xC400;
	s14 =	simm.s32 $0x4000  }
0x5: {  	s15 =	simm.s32 $0x3;
	s16 =	simm.s32 $0x2;
	s17 =	simm.s32 $0xC600  }
0x6: {  	s18 =	simm.s32 $0x1;
	s19 =	simm.s32 $0xC800;
	s20 =	simm.s32 $0xCA00  }
0x7: {  	s21 =	simm.s32 $0xCC00;
	s22 =	simm.s32 $0xCE00;
	s23 =	simm.s32 $0xD000  }
0x8: {  	s24 =	simm.s32 $0xD200;
	s25 =	simm.s32 $0xD400;
	s26 =	simm.s32 $0xD600  }
0x9: {  	s28 =	simm.s32 $0xD800;
	s29 =	simm.s32 $0xDA00;
	s30 =	simm.s32 $0xDC00  }
0xa: {  	s31 =	simm.s32 $0x0;
	s1 =	sand.u32 $0x1, s1;
	s3 =	sshll.u32 s3, $0xA  }
0xb: {  	[smem:$0x7FF] =	sst s2;
	s4 =	sshll.u32 s1, $0x9;
	s1 =	ssub.s32 $0x2, s1  }
0xc: {  	_ =	strace $0x80000047;
	s3 =	sor.u32 s4, s3;
	s6 =	sshrl.u32 s1, $0x1  }
0xd: {  	s4 =	sshll.u32 s3, $0x1;
	s5 =	sshll.u32 s3, $0x2;
	s3 =	sadd.s32 $0x4800, s0  }
0xe: {  	v0 =	vlaneseq.u32;
	s1 =	ssub.s32 s1, s6;
	s4 =	sadd.s32 s4, s0;
	s0 =	sadd.s32 s5, s0  }
0xf: {  	v0 =	vmul.u32 $0x10, v0;
	s6 =	smax.u32 s1, $0x1;
	s4 =	sadd.s32 $0x35600, s4;
	s5 =	sadd.s32 $0x3D600, s0  }
.LBB2_1:
0x10: {  	v1 =	vmov s2  }
0x11: {  	v1 =	vshll.u32 v1, $0x4  }
0x12: {  	v1 =	vor.u32 v0, v1  }
0x13: {  	[tilespmem:s7], [sflag:$0x4] =	stream.linear.gather [hbm4b:s4+s2], $0x2000, $0x38;
	[tilespmem:$0xFE00] =	vst v63  }
0x14: {  	_ =	swait.ge [sflag:s8], $0x2000  }
0x15: {  	[sflag:s8] =	ssyncset.done $0x0  }
0x16: {  	[sflag:s8] =	ssyncadd.s32 $0xFFFFE000  }
0x17: {  	v2 =	vld.idx.msk [tilespmem:v1+s7+$0x0], $0xffff  }
0x18: {  	v3 =	vor.u32 $0x1, v1;
	_ =	sdelay $0x2  }
0x19: {  	s0 =	simm.s32 $0x0  }
0x1a: {  	[tilespmem:s0+$0xC000] =	vst v2  }
0x1b: {  	v2 =	vld.idx.msk [tilespmem:v3+s7+$0x0], $0xffff  }
0x1c: {  	v3 =	vor.u32 $0x2, v1;
	_ =	sdelay $0x3  }
0x1d: {  	[tilespmem:s0+$0xC200] =	vst v2  }
0x1e: {  	v2 =	vld.idx.msk [tilespmem:v3+s7+$0x0], $0xffff  }
0x1f: {  	v3 =	vor.u32 $0x3, v1;
	_ =	sdelay $0x3  }
0x20: {  	[tilespmem:s0+$0xC400] =	vst v2  }
0x21: {  	v2 =	vld.idx.msk [tilespmem:v3+s7+$0x0], $0xffff  }
0x22: {  	v3 =	vor.u32 $0x4, v1;
	_ =	sdelay $0x3  }
0x23: {  	[tilespmem:s0+$0xC600] =	vst v2  }
0x24: {  	v2 =	vld.idx.msk [tilespmem:v3+s7+$0x0], $0xffff  }
0x25: {  	v3 =	vor.u32 $0x5, v1;
	_ =	sdelay $0x3  }
0x26: {  	[tilespmem:s0+$0xC800] =	vst v2  }
0x27: {  	v2 =	vld.idx.msk [tilespmem:v3+s7+$0x0], $0xffff  }
0x28: {  	v3 =	vor.u32 $0x6, v1;
	_ =	sdelay $0x3  }
0x29: {  	[tilespmem:s0+$0xCA00] =	vst v2  }
0x2a: {  	v2 =	vld.idx.msk [tilespmem:v3+s7+$0x0], $0xffff  }
0x2b: {  	v3 =	vor.u32 $0x7, v1;
	_ =	sdelay $0x3  }
0x2c: {  	[tilespmem:s0+$0xCC00] =	vst v2  }
0x2d: {  	v2 =	vld.idx.msk [tilespmem:v3+s7+$0x0], $0xffff  }
0x2e: {  	v3 =	vor.u32 $0x8, v1;
	_ =	sdelay $0x3  }
0x2f: {  	[tilespmem:s0+$0xCE00] =	vst v2  }
0x30: {  	v2 =	vld.idx.msk [tilespmem:v3+s7+$0x0], $0xffff  }
0x31: {  	v3 =	vor.u32 $0x9, v1;
	_ =	sdelay $0x3  }
0x32: {  	[tilespmem:s0+$0xD000] =	vst v2  }
0x33: {  	v2 =	vld.idx.msk [tilespmem:v3+s7+$0x0], $0xffff  }
0x34: {  	v3 =	vor.u32 $0xA, v1;
	_ =	sdelay $0x3  }
0x35: {  	[tilespmem:s0+$0xD200] =	vst v2  }
0x36: {  	v2 =	vld.idx.msk [tilespmem:v3+s7+$0x0], $0xffff  }
0x37: {  	v3 =	vor.u32 $0xB, v1;
	_ =	sdelay $0x3  }
0x38: {  	[tilespmem:s0+$0xD400] =	vst v2  }
0x39: {  	v2 =	vld.idx.msk [tilespmem:v3+s7+$0x0], $0xffff  }
0x3a: {  	v3 =	vor.u32 $0xC, v1;
	_ =	sdelay $0x3  }
0x3b: {  	[tilespmem:s0+$0xD600] =	vst v2  }
0x3c: {  	v2 =	vld.idx.msk [tilespmem:v3+s7+$0x0], $0xffff  }
0x3d: {  	v3 =	vor.u32 $0xD, v1;
	_ =	sdelay $0x3  }
0x3e: {  	[tilespmem:s0+$0xD800] =	vst v2  }
0x3f: {  	v2 =	vld.idx.msk [tilespmem:v3+s7+$0x0], $0xffff  }
0x40: {  	v3 =	vor.u32 $0xE, v1;
	_ =	sdelay $0x3  }
0x41: {  	s10 =	simm.s32 $0x10;
	[tilespmem:s0+$0xDA00] =	vst v2  }
0x42: {  	s1 =	simm.s32 $0x40;
	s11 =	simm.s32 $0x80;
	v1 =	vmov s10;
	v2 =	vld.idx.msk [tilespmem:v3+s7+$0x0], $0xffff  }
.LBB2_2:
0x43: {  	p0 =	sne.s32 s11, $0x7C0;
	v1 =	vshll.u32 v1, $0x4  }
0x44: {  	v1 =	vor.u32 v0, v1;
	_ =	sdelay $0x3  }
0x45: {  	[tilespmem:s0+$0xDC00] =	vst v2  }
0x46: {  	v2 =	vld.idx.msk [tilespmem:v1+s7+$0x0], $0xffff;
	_ =	sdelay $0x1  }
0x47: {  	v3 =	vor.u32 $0x1, v1;
	_ =	sdelay $0x2  }
0x48: {  	s0 =	sshra.s32 s1, $0x2;
	s1 =	smov.u32 s11  }
0x49: {  	[tilespmem:s0+$0xC000] =	vst v2  }
0x4a: {  	v2 =	vld.idx.msk [tilespmem:v3+s7+$0x0], $0xffff;
	_ =	sdelay $0x1  }
0x4b: {  	v3 =	vor.u32 $0x2, v1;
	_ =	sdelay $0x3  }
0x4c: {  	[tilespmem:s0+$0xC200] =	vst v2  }
0x4d: {  	v2 =	vld.idx.msk [tilespmem:v3+s7+$0x0], $0xffff;
	_ =	sdelay $0x1  }
0x4e: {  	v3 =	vor.u32 $0x3, v1;
	_ =	sdelay $0x3  }
0x4f: {  	[tilespmem:s0+$0xC400] =	vst v2  }
0x50: {  	v2 =	vld.idx.msk [tilespmem:v3+s7+$0x0], $0xffff;
	_ =	sdelay $0x1  }
0x51: {  	v3 =	vor.u32 $0x4, v1;
	_ =	sdelay $0x3  }
0x52: {  	[tilespmem:s0+$0xC600] =	vst v2  }
0x53: {  	v2 =	vld.idx.msk [tilespmem:v3+s7+$0x0], $0xffff;
	_ =	sdelay $0x1  }
0x54: {  	v3 =	vor.u32 $0x5, v1;
	_ =	sdelay $0x3  }
0x55: {  	[tilespmem:s0+$0xC800] =	vst v2  }
0x56: {  	v2 =	vld.idx.msk [tilespmem:v3+s7+$0x0], $0xffff;
	_ =	sdelay $0x1  }
0x57: {  	v3 =	vor.u32 $0x6, v1;
	_ =	sdelay $0x3  }
0x58: {  	[tilespmem:s0+$0xCA00] =	vst v2  }
0x59: {  	v2 =	vld.idx.msk [tilespmem:v3+s7+$0x0], $0xffff;
	_ =	sdelay $0x1  }
0x5a: {  	v3 =	vor.u32 $0x7, v1;
	_ =	sdelay $0x3  }
0x5b: {  	[tilespmem:s0+$0xCC00] =	vst v2  }
0x5c: {  	v2 =	vld.idx.msk [tilespmem:v3+s7+$0x0], $0xffff;
	_ =	sdelay $0x1  }
0x5d: {  	v3 =	vor.u32 $0x8, v1;
	_ =	sdelay $0x3  }
0x5e: {  	[tilespmem:s0+$0xCE00] =	vst v2  }
0x5f: {  	v2 =	vld.idx.msk [tilespmem:v3+s7+$0x0], $0xffff;
	_ =	sdelay $0x1  }
0x60: {  	v3 =	vor.u32 $0x9, v1;
	_ =	sdelay $0x3  }
0x61: {  	[tilespmem:s0+$0xD000] =	vst v2  }
0x62: {  	v2 =	vld.idx.msk [tilespmem:v3+s7+$0x0], $0xffff;
	_ =	sdelay $0x1  }
0x63: {  	v3 =	vor.u32 $0xA, v1;
	_ =	sdelay $0x3  }
0x64: {  	[tilespmem:s0+$0xD200] =	vst v2  }
0x65: {  	v2 =	vld.idx.msk [tilespmem:v3+s7+$0x0], $0xffff;
	_ =	sdelay $0x1  }
0x66: {  	v3 =	vor.u32 $0xB, v1;
	_ =	sdelay $0x3  }
0x67: {  	[tilespmem:s0+$0xD400] =	vst v2  }
0x68: {  	v2 =	vld.idx.msk [tilespmem:v3+s7+$0x0], $0xffff;
	_ =	sdelay $0x1  }
0x69: {  	v3 =	vor.u32 $0xC, v1;
	_ =	sdelay $0x3  }
0x6a: {  	[tilespmem:s0+$0xD600] =	vst v2  }
0x6b: {  	v2 =	vld.idx.msk [tilespmem:v3+s7+$0x0], $0xffff;
	_ =	sdelay $0x1  }
0x6c: {  	v3 =	vor.u32 $0xD, v1;
	_ =	sdelay $0x3  }
0x6d: {  	[tilespmem:s0+$0xD800] =	vst v2  }
0x6e: {  	v2 =	vld.idx.msk [tilespmem:v3+s7+$0x0], $0xffff;
	_ =	sdelay $0x1  }
0x6f: {  	v3 =	vor.u32 $0xE, v1  }
.Ltmp0:
0x70: {  	(pc) =	sbr.rel @p0 .LBB2_2-.Ltmp0, $3  }
0x71: {  	_ =	sdelay $0x1  }
0x72: {  	s10 =	sadd.s32 $0x10, s10;
	[tilespmem:s0+$0xDA00] =	vst v2  }
0x73: {  	s11 =	sadd.s32 $0x40, s11;
	v1 =	vmov s10;
	v2 =	vld.idx.msk [tilespmem:v3+s7+$0x0], $0xffff  }
0x74: {  	v1 =	vshll.u32 v1, $0x4  }
0x75: {  	v1 =	vor.u32 v0, v1;
	_ =	sdelay $0x3  }
0x76: {  	[tilespmem:s0+$0xDC00] =	vst v2  }
0x77: {  	v2 =	vld.idx.msk [tilespmem:v1+s7+$0x0], $0xffff  }
0x78: {  	v3 =	vor.u32 $0x1, v1;
	_ =	sdelay $0x2  }
0x79: {  	s11 =	sshra.s32 s1, $0x2  }
0x7a: {  	[tilespmem:s11+$0xC000] =	vst v2  }
0x7b: {  	v2 =	vld.idx.msk [tilespmem:v3+s7+$0x0], $0xffff  }
0x7c: {  	v3 =	vor.u32 $0x2, v1;
	_ =	sdelay $0x3  }
0x7d: {  	[tilespmem:s11+$0xC200] =	vst v2  }
0x7e: {  	v2 =	vld.idx.msk [tilespmem:v3+s7+$0x0], $0xffff  }
0x7f: {  	v3 =	vor.u32 $0x3, v1;
	_ =	sdelay $0x3  }
0x80: {  	[tilespmem:s11+$0xC400] =	vst v2  }
0x81: {  	v2 =	vld.idx.msk [tilespmem:v3+s7+$0x0], $0xffff  }
0x82: {  	v3 =	vor.u32 $0x4, v1;
	_ =	sdelay $0x3  }
0x83: {  	[tilespmem:s11+$0xC600] =	vst v2  }
0x84: {  	v2 =	vld.idx.msk [tilespmem:v3+s7+$0x0], $0xffff  }
0x85: {  	v3 =	vor.u32 $0x5, v1;
	_ =	sdelay $0x3  }
0x86: {  	[tilespmem:s11+$0xC800] =	vst v2  }
0x87: {  	v2 =	vld.idx.msk [tilespmem:v3+s7+$0x0], $0xffff  }
0x88: {  	v3 =	vor.u32 $0x6, v1;
	_ =	sdelay $0x3  }
0x89: {  	[tilespmem:s11+$0xCA00] =	vst v2  }
0x8a: {  	v2 =	vld.idx.msk [tilespmem:v3+s7+$0x0], $0xffff  }
0x8b: {  	v3 =	vor.u32 $0x7, v1;
	_ =	sdelay $0x3  }
0x8c: {  	[tilespmem:s11+$0xCC00] =	vst v2  }
0x8d: {  	v2 =	vld.idx.msk [tilespmem:v3+s7+$0x0], $0xffff  }
0x8e: {  	v3 =	vor.u32 $0x8, v1;
	_ =	sdelay $0x3  }
0x8f: {  	[tilespmem:s11+$0xCE00] =	vst v2  }
0x90: {  	v2 =	vld.idx.msk [tilespmem:v3+s7+$0x0], $0xffff  }
0x91: {  	v3 =	vor.u32 $0x9, v1;
	_ =	sdelay $0x3  }
0x92: {  	[tilespmem:s11+$0xD000] =	vst v2  }
0x93: {  	v2 =	vld.idx.msk [tilespmem:v3+s7+$0x0], $0xffff  }
0x94: {  	v3 =	vor.u32 $0xA, v1;
	_ =	sdelay $0x3  }
0x95: {  	[tilespmem:s11+$0xD200] =	vst v2  }
0x96: {  	v2 =	vld.idx.msk [tilespmem:v3+s7+$0x0], $0xffff  }
0x97: {  	v3 =	vor.u32 $0xB, v1;
	_ =	sdelay $0x3  }
0x98: {  	[tilespmem:s11+$0xD400] =	vst v2  }
0x99: {  	v2 =	vld.idx.msk [tilespmem:v3+s7+$0x0], $0xffff  }
0x9a: {  	v3 =	vor.u32 $0xC, v1;
	_ =	sdelay $0x3  }
0x9b: {  	[tilespmem:s11+$0xD600] =	vst v2  }
0x9c: {  	v2 =	vld.idx.msk [tilespmem:v3+s7+$0x0], $0xffff  }
0x9d: {  	v3 =	vor.u32 $0xD, v1;
	_ =	sdelay $0x3  }
0x9e: {  	[tilespmem:s11+$0xD800] =	vst v2  }
0x9f: {  	v2 =	vld.idx.msk [tilespmem:v3+s7+$0x0], $0xffff  }
0xa0: {  	v1 =	vor.u32 $0xE, v1;
	_ =	sdelay $0x3  }
0xa1: {  	[tilespmem:s11+$0xDA00] =	vst v2  }
0xa2: {  	v1 =	vld.idx.msk [tilespmem:v1+s7+$0x0], $0xffff;
	_ =	sdelay $0x4  }
0xa3: {  	s1 =	simm.s32 $0x0;
	s10 =	simm.s32 $0xC000;
	[tilespmem:s11+$0xDC00] =	vst v1  }
0xa4: {  	[tilespmem:s1], [sflag:$0x3] =	stream.indirect.gather [hbm4b:s3+s9], $0x20, s10, s9, $0xb8;
	[tilespmem:$0xFE00] =	vst v63  }
0xa5: {  	s11 =	simm.s32 $0xC200  }
0xa6: {  	[tilespmem:s12], [sflag:$0x2] =	stream.indirect.gather [hbm4b:s3+s9], $0x20, s11, s9, $0xb8;
	[tilespmem:$0xFE00] =	vst v63  }
0xa7: {  	_ = 	snop  }
0xa8: {  	[tilespmem:s14], [sflag:$0x1] =	stream.indirect.gather [hbm4b:s3+s9], $0x20, s13, s9, $0xb8;
	[tilespmem:$0xFE00] =	vst v63  }
0xa9: {  	_ =	swait.ge [sflag:s15], $0x4000  }
0xaa: {  	[sflag:s15] =	ssyncset.done $0x0  }
0xab: {  	[sflag:s15] =	ssyncadd.s32 $0xFFFFC000  }
0xac: {  	_ =	swait.ge [sflag:s16], $0x4000  }
0xad: {  	[sflag:s16] =	ssyncset.done $0x0  }
0xae: {  	s0 =	simm.s32 $0x0;
	[sflag:s16] =	ssyncadd.s32 $0xFFFFC000  }
0xaf: {  	v1 =	vld [tilespmem:s0+$0x8000]  }
0xb0: {  	v2 =	vld [tilespmem:s0+$0x8010]  }
0xb1: {  	s1 =	simm.s32 $0x80;
	v3 =	vld [tilespmem:s0+$0x0]  }
.LBB2_4:
0xb2: {  	p0 =	sne.s32 s1, $0xFF80;
	v4 =	vld [tilespmem:s0+$0x10];
	_ =	sdelay $0x2  }
.Ltmp1:
0xb3: {  	(pc) =	sbr.rel @p0 .LBB2_4-.Ltmp1, $4  }
0xb4: {  	s10 =	sshra.s32 s1, $0x2;
	v3 =	vadd.f32 v1, v3  }
0xb5: {  	v1 =	vld [tilespmem:s10+$0x8000];
	v4 =	vadd.f32 v2, v4  }
0xb6: {  	v2 =	vld [tilespmem:s10+$0x8010];
	[tilespmem:s0+$0x0] =	vst v3  }
0xb7: {  	s1 =	sadd.s32 $0x80, s1;
	v3 =	vld [tilespmem:s10+$0x0];
	[tilespmem:s0+$0x10] =	vst v4;
	s0 =	smov.u32 s10  }
0xb8: {  	v4 =	vld [tilespmem:s0+$0x10];
	_ =	sdelay $0x3  }
0xb9: {  	v1 =	vadd.f32 v1, v3  }
0xba: {  	v2 =	vadd.f32 v2, v4  }
0xbb: {  	[tilespmem:s0+$0x0] =	vst v1  }
0xbc: {  	[tilespmem:s0+$0x10] =	vst v2  }
0xbd: {  	[tilespmem:s12], [sflag:$0x2] =	stream.indirect.gather [hbm4b:s3+s9], $0x20, s17, s9, $0xb8;
	[tilespmem:$0xFE00] =	vst v63  }
0xbe: {  	_ =	swait.ge [sflag:s18], $0x4000  }
0xbf: {  	[sflag:s18] =	ssyncset.done $0x0  }
0xc0: {  	s0 =	simm.s32 $0x0;
	[sflag:s18] =	ssyncadd.s32 $0xFFFFC000  }
0xc1: {  	v1 =	vld [tilespmem:s0+$0x4000]  }
0xc2: {  	v2 =	vld [tilespmem:s0+$0x4010]  }
0xc3: {  	s1 =	simm.s32 $0x80;
	v3 =	vld [tilespmem:s0+$0x0]  }
.LBB2_6:
0xc4: {  	p0 =	sne.s32 s1, $0xFF80;
	v4 =	vld [tilespmem:s0+$0x10];
	_ =	sdelay $0x2  }
.Ltmp2:
0xc5: {  	(pc) =	sbr.rel @p0 .LBB2_6-.Ltmp2, $4  }
0xc6: {  	s10 =	sshra.s32 s1, $0x2;
	v3 =	vadd.f32 v1, v3  }
0xc7: {  	v1 =	vld [tilespmem:s10+$0x4000];
	v4 =	vadd.f32 v2, v4  }
0xc8: {  	v2 =	vld [tilespmem:s10+$0x4010];
	[tilespmem:s0+$0x0] =	vst v3  }
0xc9: {  	s1 =	sadd.s32 $0x80, s1;
	v3 =	vld [tilespmem:s10+$0x0];
	[tilespmem:s0+$0x10] =	vst v4;
	s0 =	smov.u32 s10  }
0xca: {  	v4 =	vld [tilespmem:s0+$0x10];
	_ =	sdelay $0x3  }
0xcb: {  	v1 =	vadd.f32 v1, v3  }
0xcc: {  	v2 =	vadd.f32 v2, v4  }
0xcd: {  	[tilespmem:s0+$0x0] =	vst v1  }
0xce: {  	[tilespmem:s0+$0x10] =	vst v2  }
0xcf: {  	[tilespmem:s14], [sflag:$0x1] =	stream.indirect.gather [hbm4b:s3+s9], $0x20, s19, s9, $0xb8;
	[tilespmem:$0xFE00] =	vst v63  }
0xd0: {  	_ =	swait.ge [sflag:s16], $0x4000  }
0xd1: {  	[sflag:s16] =	ssyncset.done $0x0  }
0xd2: {  	s0 =	simm.s32 $0x0;
	[sflag:s16] =	ssyncadd.s32 $0xFFFFC000  }
0xd3: {  	v1 =	vld [tilespmem:s0+$0x8000]  }
0xd4: {  	v2 =	vld [tilespmem:s0+$0x8010]  }
0xd5: {  	s1 =	simm.s32 $0x80;
	v3 =	vld [tilespmem:s0+$0x0]  }
.LBB2_8:
0xd6: {  	p0 =	sne.s32 s1, $0xFF80;
	v4 =	vld [tilespmem:s0+$0x10];
	_ =	sdelay $0x2  }
.Ltmp3:
0xd7: {  	(pc) =	sbr.rel @p0 .LBB2_8-.Ltmp3, $4  }
0xd8: {  	s10 =	sshra.s32 s1, $0x2;
	v3 =	vadd.f32 v1, v3  }
0xd9: {  	v1 =	vld [tilespmem:s10+$0x8000];
	v4 =	vadd.f32 v2, v4  }
0xda: {  	v2 =	vld [tilespmem:s10+$0x8010];
	[tilespmem:s0+$0x0] =	vst v3  }
0xdb: {  	s1 =	sadd.s32 $0x80, s1;
	v3 =	vld [tilespmem:s10+$0x0];
	[tilespmem:s0+$0x10] =	vst v4;
	s0 =	smov.u32 s10  }
0xdc: {  	v4 =	vld [tilespmem:s0+$0x10];
	_ =	sdelay $0x3  }
0xdd: {  	v1 =	vadd.f32 v1, v3  }
0xde: {  	v2 =	vadd.f32 v2, v4  }
0xdf: {  	[tilespmem:s0+$0x0] =	vst v1  }
0xe0: {  	[tilespmem:s0+$0x10] =	vst v2  }
0xe1: {  	[tilespmem:s12], [sflag:$0x2] =	stream.indirect.gather [hbm4b:s3+s9], $0x20, s20, s9, $0xb8;
	[tilespmem:$0xFE00] =	vst v63  }
0xe2: {  	_ =	swait.ge [sflag:s18], $0x4000  }
0xe3: {  	[sflag:s18] =	ssyncset.done $0x0  }
0xe4: {  	s0 =	simm.s32 $0x0;
	[sflag:s18] =	ssyncadd.s32 $0xFFFFC000  }
0xe5: {  	v1 =	vld [tilespmem:s0+$0x4000]  }
0xe6: {  	v2 =	vld [tilespmem:s0+$0x4010]  }
0xe7: {  	s1 =	simm.s32 $0x80;
	v3 =	vld [tilespmem:s0+$0x0]  }
.LBB2_10:
0xe8: {  	p0 =	sne.s32 s1, $0xFF80;
	v4 =	vld [tilespmem:s0+$0x10];
	_ =	sdelay $0x2  }
.Ltmp4:
0xe9: {  	(pc) =	sbr.rel @p0 .LBB2_10-.Ltmp4, $4  }
0xea: {  	s10 =	sshra.s32 s1, $0x2;
	v3 =	vadd.f32 v1, v3  }
0xeb: {  	v1 =	vld [tilespmem:s10+$0x4000];
	v4 =	vadd.f32 v2, v4  }
0xec: {  	v2 =	vld [tilespmem:s10+$0x4010];
	[tilespmem:s0+$0x0] =	vst v3  }
0xed: {  	s1 =	sadd.s32 $0x80, s1;
	v3 =	vld [tilespmem:s10+$0x0];
	[tilespmem:s0+$0x10] =	vst v4;
	s0 =	smov.u32 s10  }
0xee: {  	v4 =	vld [tilespmem:s0+$0x10];
	_ =	sdelay $0x3  }
0xef: {  	v1 =	vadd.f32 v1, v3  }
0xf0: {  	v2 =	vadd.f32 v2, v4  }
0xf1: {  	[tilespmem:s0+$0x0] =	vst v1  }
0xf2: {  	[tilespmem:s0+$0x10] =	vst v2  }
0xf3: {  	[tilespmem:s14], [sflag:$0x1] =	stream.indirect.gather [hbm4b:s3+s9], $0x20, s21, s9, $0xb8;
	[tilespmem:$0xFE00] =	vst v63  }
0xf4: {  	_ =	swait.ge [sflag:s16], $0x4000  }
0xf5: {  	[sflag:s16] =	ssyncset.done $0x0  }
0xf6: {  	s0 =	simm.s32 $0x0;
	[sflag:s16] =	ssyncadd.s32 $0xFFFFC000  }
0xf7: {  	v1 =	vld [tilespmem:s0+$0x8000]  }
0xf8: {  	v2 =	vld [tilespmem:s0+$0x8010]  }
0xf9: {  	s1 =	simm.s32 $0x80;
	v3 =	vld [tilespmem:s0+$0x0]  }
.LBB2_12:
0xfa: {  	p0 =	sne.s32 s1, $0xFF80;
	v4 =	vld [tilespmem:s0+$0x10];
	_ =	sdelay $0x2  }
.Ltmp5:
0xfb: {  	(pc) =	sbr.rel @p0 .LBB2_12-.Ltmp5, $4  }
0xfc: {  	s10 =	sshra.s32 s1, $0x2;
	v3 =	vadd.f32 v1, v3  }
0xfd: {  	v1 =	vld [tilespmem:s10+$0x8000];
	v4 =	vadd.f32 v2, v4  }
0xfe: {  	v2 =	vld [tilespmem:s10+$0x8010];
	[tilespmem:s0+$0x0] =	vst v3  }
0xff: {  	s1 =	sadd.s32 $0x80, s1;
	v3 =	vld [tilespmem:s10+$0x0];
	[tilespmem:s0+$0x10] =	vst v4;
	s0 =	smov.u32 s10  }
0x100: {  	v4 =	vld [tilespmem:s0+$0x10];
	_ =	sdelay $0x3  }
0x101: {  	v1 =	vadd.f32 v1, v3  }
0x102: {  	v2 =	vadd.f32 v2, v4  }
0x103: {  	[tilespmem:s0+$0x0] =	vst v1  }
0x104: {  	[tilespmem:s0+$0x10] =	vst v2  }
0x105: {  	[tilespmem:s12], [sflag:$0x2] =	stream.indirect.gather [hbm4b:s3+s9], $0x20, s22, s9, $0xb8;
	[tilespmem:$0xFE00] =	vst v63  }
0x106: {  	_ =	swait.ge [sflag:s18], $0x4000  }
0x107: {  	[sflag:s18] =	ssyncset.done $0x0  }
0x108: {  	s0 =	simm.s32 $0x0;
	[sflag:s18] =	ssyncadd.s32 $0xFFFFC000  }
0x109: {  	v1 =	vld [tilespmem:s0+$0x4000]  }
0x10a: {  	v2 =	vld [tilespmem:s0+$0x4010]  }
0x10b: {  	s1 =	simm.s32 $0x80;
	v3 =	vld [tilespmem:s0+$0x0]  }
.LBB2_14:
0x10c: {  	p0 =	sne.s32 s1, $0xFF80;
	v4 =	vld [tilespmem:s0+$0x10];
	_ =	sdelay $0x2  }
.Ltmp6:
0x10d: {  	(pc) =	sbr.rel @p0 .LBB2_14-.Ltmp6, $4  }
0x10e: {  	s10 =	sshra.s32 s1, $0x2;
	v3 =	vadd.f32 v1, v3  }
0x10f: {  	v1 =	vld [tilespmem:s10+$0x4000];
	v4 =	vadd.f32 v2, v4  }
0x110: {  	v2 =	vld [tilespmem:s10+$0x4010];
	[tilespmem:s0+$0x0] =	vst v3  }
0x111: {  	s1 =	sadd.s32 $0x80, s1;
	v3 =	vld [tilespmem:s10+$0x0];
	[tilespmem:s0+$0x10] =	vst v4;
	s0 =	smov.u32 s10  }
0x112: {  	v4 =	vld [tilespmem:s0+$0x10];
	_ =	sdelay $0x3  }
0x113: {  	v1 =	vadd.f32 v1, v3  }
0x114: {  	v2 =	vadd.f32 v2, v4  }
0x115: {  	[tilespmem:s0+$0x0] =	vst v1  }
0x116: {  	[tilespmem:s0+$0x10] =	vst v2  }
0x117: {  	[tilespmem:s14], [sflag:$0x1] =	stream.indirect.gather [hbm4b:s3+s9], $0x20, s23, s9, $0xb8;
	[tilespmem:$0xFE00] =	vst v63  }
0x118: {  	_ =	swait.ge [sflag:s16], $0x4000  }
0x119: {  	[sflag:s16] =	ssyncset.done $0x0  }
0x11a: {  	s0 =	simm.s32 $0x0;
	[sflag:s16] =	ssyncadd.s32 $0xFFFFC000  }
0x11b: {  	v1 =	vld [tilespmem:s0+$0x8000]  }
0x11c: {  	v2 =	vld [tilespmem:s0+$0x8010]  }
0x11d: {  	s1 =	simm.s32 $0x80;
	v3 =	vld [tilespmem:s0+$0x0]  }
.LBB2_16:
0x11e: {  	p0 =	sne.s32 s1, $0xFF80;
	v4 =	vld [tilespmem:s0+$0x10];
	_ =	sdelay $0x2  }
.Ltmp7:
0x11f: {  	(pc) =	sbr.rel @p0 .LBB2_16-.Ltmp7, $4  }
0x120: {  	s10 =	sshra.s32 s1, $0x2;
	v3 =	vadd.f32 v1, v3  }
0x121: {  	v1 =	vld [tilespmem:s10+$0x8000];
	v4 =	vadd.f32 v2, v4  }
0x122: {  	v2 =	vld [tilespmem:s10+$0x8010];
	[tilespmem:s0+$0x0] =	vst v3  }
0x123: {  	s1 =	sadd.s32 $0x80, s1;
	v3 =	vld [tilespmem:s10+$0x0];
	[tilespmem:s0+$0x10] =	vst v4;
	s0 =	smov.u32 s10  }
0x124: {  	v4 =	vld [tilespmem:s0+$0x10];
	_ =	sdelay $0x3  }
0x125: {  	v1 =	vadd.f32 v1, v3  }
0x126: {  	v2 =	vadd.f32 v2, v4  }
0x127: {  	[tilespmem:s0+$0x0] =	vst v1  }
0x128: {  	[tilespmem:s0+$0x10] =	vst v2  }
0x129: {  	[tilespmem:s12], [sflag:$0x2] =	stream.indirect.gather [hbm4b:s3+s9], $0x20, s24, s9, $0xb8;
	[tilespmem:$0xFE00] =	vst v63  }
0x12a: {  	_ =	swait.ge [sflag:s18], $0x4000  }
0x12b: {  	[sflag:s18] =	ssyncset.done $0x0  }
0x12c: {  	s0 =	simm.s32 $0x0;
	[sflag:s18] =	ssyncadd.s32 $0xFFFFC000  }
0x12d: {  	v1 =	vld [tilespmem:s0+$0x4000]  }
0x12e: {  	v2 =	vld [tilespmem:s0+$0x4010]  }
0x12f: {  	s1 =	simm.s32 $0x80;
	v3 =	vld [tilespmem:s0+$0x0]  }
.LBB2_18:
0x130: {  	p0 =	sne.s32 s1, $0xFF80;
	v4 =	vld [tilespmem:s0+$0x10];
	_ =	sdelay $0x2  }
.Ltmp8:
0x131: {  	(pc) =	sbr.rel @p0 .LBB2_18-.Ltmp8, $4  }
0x132: {  	s10 =	sshra.s32 s1, $0x2;
	v3 =	vadd.f32 v1, v3  }
0x133: {  	v1 =	vld [tilespmem:s10+$0x4000];
	v4 =	vadd.f32 v2, v4  }
0x134: {  	v2 =	vld [tilespmem:s10+$0x4010];
	[tilespmem:s0+$0x0] =	vst v3  }
0x135: {  	s1 =	sadd.s32 $0x80, s1;
	v3 =	vld [tilespmem:s10+$0x0];
	[tilespmem:s0+$0x10] =	vst v4;
	s0 =	smov.u32 s10  }
0x136: {  	v4 =	vld [tilespmem:s0+$0x10];
	_ =	sdelay $0x3  }
0x137: {  	v1 =	vadd.f32 v1, v3  }
0x138: {  	v2 =	vadd.f32 v2, v4  }
0x139: {  	[tilespmem:s0+$0x0] =	vst v1  }
0x13a: {  	[tilespmem:s0+$0x10] =	vst v2  }
0x13b: {  	[tilespmem:s14], [sflag:$0x1] =	stream.indirect.gather [hbm4b:s3+s9], $0x20, s25, s9, $0xb8;
	[tilespmem:$0xFE00] =	vst v63  }
0x13c: {  	_ =	swait.ge [sflag:s16], $0x4000  }
0x13d: {  	[sflag:s16] =	ssyncset.done $0x0  }
0x13e: {  	s0 =	simm.s32 $0x0;
	[sflag:s16] =	ssyncadd.s32 $0xFFFFC000  }
0x13f: {  	v1 =	vld [tilespmem:s0+$0x8000]  }
0x140: {  	v2 =	vld [tilespmem:s0+$0x8010]  }
0x141: {  	s1 =	simm.s32 $0x80;
	v3 =	vld [tilespmem:s0+$0x0]  }
.LBB2_20:
0x142: {  	p0 =	sne.s32 s1, $0xFF80;
	v4 =	vld [tilespmem:s0+$0x10];
	_ =	sdelay $0x2  }
.Ltmp9:
0x143: {  	(pc) =	sbr.rel @p0 .LBB2_20-.Ltmp9, $4  }
0x144: {  	s10 =	sshra.s32 s1, $0x2;
	v3 =	vadd.f32 v1, v3  }
0x145: {  	v1 =	vld [tilespmem:s10+$0x8000];
	v4 =	vadd.f32 v2, v4  }
0x146: {  	v2 =	vld [tilespmem:s10+$0x8010];
	[tilespmem:s0+$0x0] =	vst v3  }
0x147: {  	s1 =	sadd.s32 $0x80, s1;
	v3 =	vld [tilespmem:s10+$0x0];
	[tilespmem:s0+$0x10] =	vst v4;
	s0 =	smov.u32 s10  }
0x148: {  	v4 =	vld [tilespmem:s0+$0x10];
	_ =	sdelay $0x3  }
0x149: {  	v1 =	vadd.f32 v1, v3  }
0x14a: {  	v2 =	vadd.f32 v2, v4  }
0x14b: {  	[tilespmem:s0+$0x0] =	vst v1  }
0x14c: {  	[tilespmem:s0+$0x10] =	vst v2  }
0x14d: {  	[tilespmem:s12], [sflag:$0x2] =	stream.indirect.gather [hbm4b:s3+s9], $0x20, s26, s9, $0xb8;
	[tilespmem:$0xFE00] =	vst v63  }
0x14e: {  	_ =	swait.ge [sflag:s18], $0x4000  }
0x14f: {  	[sflag:s18] =	ssyncset.done $0x0  }
0x150: {  	s0 =	simm.s32 $0x0;
	[sflag:s18] =	ssyncadd.s32 $0xFFFFC000  }
0x151: {  	v1 =	vld [tilespmem:s0+$0x4000]  }
0x152: {  	v2 =	vld [tilespmem:s0+$0x4010]  }
0x153: {  	s1 =	simm.s32 $0x80;
	v3 =	vld [tilespmem:s0+$0x0]  }
.LBB2_22:
0x154: {  	p0 =	sne.s32 s1, $0xFF80;
	v4 =	vld [tilespmem:s0+$0x10];
	_ =	sdelay $0x2  }
.Ltmp10:
0x155: {  	(pc) =	sbr.rel @p0 .LBB2_22-.Ltmp10, $4  }
0x156: {  	s10 =	sshra.s32 s1, $0x2;
	v3 =	vadd.f32 v1, v3  }
0x157: {  	v1 =	vld [tilespmem:s10+$0x4000];
	v4 =	vadd.f32 v2, v4  }
0x158: {  	v2 =	vld [tilespmem:s10+$0x4010];
	[tilespmem:s0+$0x0] =	vst v3  }
0x159: {  	s1 =	sadd.s32 $0x80, s1;
	v3 =	vld [tilespmem:s10+$0x0];
	[tilespmem:s0+$0x10] =	vst v4;
	s0 =	smov.u32 s10  }
0x15a: {  	v4 =	vld [tilespmem:s0+$0x10];
	_ =	sdelay $0x3  }
0x15b: {  	v1 =	vadd.f32 v1, v3  }
0x15c: {  	v2 =	vadd.f32 v2, v4  }
0x15d: {  	[tilespmem:s0+$0x0] =	vst v1  }
0x15e: {  	[tilespmem:s0+$0x10] =	vst v2  }
0x15f: {  	[tilespmem:s14], [sflag:$0x1] =	stream.indirect.gather [hbm4b:s3+s9], $0x20, s28, s9, $0xb8;
	[tilespmem:$0xFE00] =	vst v63  }
0x160: {  	_ =	swait.ge [sflag:s16], $0x4000  }
0x161: {  	[sflag:s16] =	ssyncset.done $0x0  }
0x162: {  	s0 =	simm.s32 $0x0;
	[sflag:s16] =	ssyncadd.s32 $0xFFFFC000  }
0x163: {  	v1 =	vld [tilespmem:s0+$0x8000]  }
0x164: {  	v2 =	vld [tilespmem:s0+$0x8010]  }
0x165: {  	s1 =	simm.s32 $0x80;
	v3 =	vld [tilespmem:s0+$0x0]  }
.LBB2_24:
0x166: {  	p0 =	sne.s32 s1, $0xFF80;
	v4 =	vld [tilespmem:s0+$0x10];
	_ =	sdelay $0x2  }
.Ltmp11:
0x167: {  	(pc) =	sbr.rel @p0 .LBB2_24-.Ltmp11, $4  }
0x168: {  	s10 =	sshra.s32 s1, $0x2;
	v3 =	vadd.f32 v1, v3  }
0x169: {  	v1 =	vld [tilespmem:s10+$0x8000];
	v4 =	vadd.f32 v2, v4  }
0x16a: {  	v2 =	vld [tilespmem:s10+$0x8010];
	[tilespmem:s0+$0x0] =	vst v3  }
0x16b: {  	s1 =	sadd.s32 $0x80, s1;
	v3 =	vld [tilespmem:s10+$0x0];
	[tilespmem:s0+$0x10] =	vst v4;
	s0 =	smov.u32 s10  }
0x16c: {  	v4 =	vld [tilespmem:s0+$0x10];
	_ =	sdelay $0x3  }
0x16d: {  	v1 =	vadd.f32 v1, v3  }
0x16e: {  	v2 =	vadd.f32 v2, v4  }
0x16f: {  	[tilespmem:s0+$0x0] =	vst v1  }
0x170: {  	[tilespmem:s0+$0x10] =	vst v2  }
0x171: {  	[tilespmem:s12], [sflag:$0x2] =	stream.indirect.gather [hbm4b:s3+s9], $0x20, s29, s9, $0xb8;
	[tilespmem:$0xFE00] =	vst v63  }
0x172: {  	_ =	swait.ge [sflag:s18], $0x4000  }
0x173: {  	[sflag:s18] =	ssyncset.done $0x0  }
0x174: {  	s0 =	simm.s32 $0x0;
	[sflag:s18] =	ssyncadd.s32 $0xFFFFC000  }
0x175: {  	v1 =	vld [tilespmem:s0+$0x4000]  }
0x176: {  	v2 =	vld [tilespmem:s0+$0x4010]  }
0x177: {  	s1 =	simm.s32 $0x80;
	v3 =	vld [tilespmem:s0+$0x0]  }
.LBB2_26:
0x178: {  	p0 =	sne.s32 s1, $0xFF80;
	v4 =	vld [tilespmem:s0+$0x10];
	_ =	sdelay $0x2  }
.Ltmp12:
0x179: {  	(pc) =	sbr.rel @p0 .LBB2_26-.Ltmp12, $4  }
0x17a: {  	s10 =	sshra.s32 s1, $0x2;
	v3 =	vadd.f32 v1, v3  }
0x17b: {  	v1 =	vld [tilespmem:s10+$0x4000];
	v4 =	vadd.f32 v2, v4  }
0x17c: {  	v2 =	vld [tilespmem:s10+$0x4010];
	[tilespmem:s0+$0x0] =	vst v3  }
0x17d: {  	s1 =	sadd.s32 $0x80, s1;
	v3 =	vld [tilespmem:s10+$0x0];
	[tilespmem:s0+$0x10] =	vst v4;
	s0 =	smov.u32 s10  }
0x17e: {  	v4 =	vld [tilespmem:s0+$0x10];
	_ =	sdelay $0x3  }
0x17f: {  	v1 =	vadd.f32 v1, v3  }
0x180: {  	v2 =	vadd.f32 v2, v4  }
0x181: {  	[tilespmem:s0+$0x0] =	vst v1  }
0x182: {  	[tilespmem:s0+$0x10] =	vst v2  }
0x183: {  	[tilespmem:s14], [sflag:$0x1] =	stream.indirect.gather [hbm4b:s3+s9], $0x20, s30, s9, $0xb8;
	[tilespmem:$0xFE00] =	vst v63  }
0x184: {  	_ =	swait.ge [sflag:s16], $0x4000  }
0x185: {  	[sflag:s16] =	ssyncset.done $0x0  }
0x186: {  	s0 =	simm.s32 $0x0;
	[sflag:s16] =	ssyncadd.s32 $0xFFFFC000  }
0x187: {  	v1 =	vld [tilespmem:s0+$0x8000]  }
0x188: {  	v2 =	vld [tilespmem:s0+$0x8010]  }
0x189: {  	s1 =	simm.s32 $0x80;
	v3 =	vld [tilespmem:s0+$0x0]  }
.LBB2_28:
0x18a: {  	p0 =	sne.s32 s1, $0xFF80;
	v4 =	vld [tilespmem:s0+$0x10];
	_ =	sdelay $0x2  }
.Ltmp13:
0x18b: {  	(pc) =	sbr.rel @p0 .LBB2_28-.Ltmp13, $4  }
0x18c: {  	s10 =	sshra.s32 s1, $0x2;
	v3 =	vadd.f32 v1, v3  }
0x18d: {  	v1 =	vld [tilespmem:s10+$0x8000];
	v4 =	vadd.f32 v2, v4  }
0x18e: {  	v2 =	vld [tilespmem:s10+$0x8010];
	[tilespmem:s0+$0x0] =	vst v3  }
0x18f: {  	s1 =	sadd.s32 $0x80, s1;
	v3 =	vld [tilespmem:s10+$0x0];
	[tilespmem:s0+$0x10] =	vst v4;
	s0 =	smov.u32 s10  }
0x190: {  	v4 =	vld [tilespmem:s0+$0x10];
	_ =	sdelay $0x3  }
0x191: {  	v1 =	vadd.f32 v1, v3  }
0x192: {  	v2 =	vadd.f32 v2, v4  }
0x193: {  	[tilespmem:s0+$0x0] =	vst v1  }
0x194: {  	[tilespmem:s0+$0x10] =	vst v2  }
0x195: {  	_ =	swait.ge [sflag:s18], $0x4000  }
0x196: {  	[sflag:s18] =	ssyncset.done $0x0  }
0x197: {  	s0 =	simm.s32 $0x0;
	[sflag:s18] =	ssyncadd.s32 $0xFFFFC000  }
0x198: {  	v1 =	vld [tilespmem:s0+$0x4000]  }
0x199: {  	v2 =	vld [tilespmem:s0+$0x4010]  }
0x19a: {  	s1 =	simm.s32 $0x80;
	v3 =	vld [tilespmem:s0+$0x0]  }
.LBB2_30:
0x19b: {  	p0 =	sne.s32 s1, $0xFF80;
	v4 =	vld [tilespmem:s0+$0x10];
	_ =	sdelay $0x2  }
.Ltmp14:
0x19c: {  	(pc) =	sbr.rel @p0 .LBB2_30-.Ltmp14, $4  }
0x19d: {  	s10 =	sshra.s32 s1, $0x2;
	v3 =	vadd.f32 v1, v3  }
0x19e: {  	v1 =	vld [tilespmem:s10+$0x4000];
	v4 =	vadd.f32 v2, v4  }
0x19f: {  	v2 =	vld [tilespmem:s10+$0x4010];
	[tilespmem:s0+$0x0] =	vst v3  }
0x1a0: {  	s1 =	sadd.s32 $0x80, s1;
	v3 =	vld [tilespmem:s10+$0x0];
	[tilespmem:s0+$0x10] =	vst v4;
	s0 =	smov.u32 s10  }
0x1a1: {  	v4 =	vld [tilespmem:s0+$0x10];
	_ =	sdelay $0x3  }
0x1a2: {  	v1 =	vadd.f32 v1, v3  }
0x1a3: {  	s31 =	sadd.s32 $0x1, s31;
	v2 =	vadd.f32 v2, v4  }
0x1a4: {  	p0 =	sne.s32 s31, s6;
	[tilespmem:s0+$0x0] =	vst v1  }
.Ltmp15:
0x1a5: {  	[tilespmem:s0+$0x10] =	vst v2;
	(pc) =	sbr.rel @p0 .LBB2_1-.Ltmp15, $4  }
0x1a6: {  	[hbm4b:s5+s2] =	stream.linear.scatter [tilespmem:s2], [sflag:$0x4], $0x4000, $0x38;
	[tilespmem:$0xFE00] =	vst v63  }
0x1a7: {  	_ =	swait.ge [sflag:s8], $0x4000  }
0x1a8: {  	[sflag:s8] =	ssyncset.done $0x0  }
0x1a9: {  	[sflag:s8] =	ssyncadd.s32 $0xFFFFC000  }
0x1aa: {  	_ =	sfence.sel $0x180000  }
0x1ab: {  	[bflag:$0x0] =	sbarrier.arrive $0xFFFF  }
0x1ac: {  	_ =	strace $0x90000047  }
0x1ad: {  	s0 =	stileid.u32;
	[bflag:$0x2] =	sbarrier.arrive $0xFFFF  }
0x1ae: {  	p0 =	sne.s32 s0, $0x0;
	s0 =	rddreg [dreg:$0x1]  }
0x1af: {  	s0 =	sadd.s32 @!p0 $0x100000, s0  }
0x1b0: {  	[sflag:s0] =	ssyncadd.tile.s32 @!p0 $0x1;
	_ =	shalt  }
.Lfunc_end2:
_tile_overlayer_lowered:
.L_overlay_start_2:
0x1b1: {  	(tag) =	ssettag $0x2  }
0x1b2: {  	s0 =	rddreg [dreg:$0x0];
	s2 =	stileid.u32  }
0x1b3: {  	s1 =	rddreg [dreg:$0x1];
	p0 =	sne.s32 s2, $0x0  }
0x1b4: {  	s3 =	rddreg [dreg:$0x2];
	[bflag:$0x3] =	sbarrier.arrive $0xFFFF;
	s2 =	simm.s32 @!p0 $0x1C04  }
0x1b5: {  	[timem:s3], [sflag:s2] =	dma.local @!p0 [hbm:s0], s1  }
0x1b6: {  	s0 =	simm.s32 @!p0 $0x4  }
0x1b7: {  	_ =	swait.ge @!p0 [sflag:s0], s1  }
0x1b8: {  	s1 =	ssub.s32 @!p0 $0x0, s1;
	[sflag:s0] =	ssyncset.done @!p0 $0x0  }
0x1b9: {  	[sflag:s0] =	ssyncadd.s32 @!p0 s1  }
0x1ba: {  	[bflag:$0x3] =	sbarrier.arrive $0xFFFF  }
0x1bb: {  	_ =	shalt  }

</sc_bundles>
